<compile_context>
chip_gen: v7x
topology: tpu7x:2x2x1
jax: 0.10.2.dev20260603
libtpu: 0.0.44.dev20260713+nightly
codegen_flags: <defaults>
</compile_context>

<pallas_src>
import functools

import jax
import jax.numpy as jnp
import numpy as np
from jax import lax
from jax.experimental import pallas as pl
from jax.experimental.pallas import tpu as pltpu
from jax.experimental.pallas import tpu_sc as plsc

_VOCAB = 100000
_D = 64
_B = 16384
_L = 20
_P_DROP = 0.1
_KEEP = 1.0 - _P_DROP

_NC, _NS = 2, 16
_NW = _NC * _NS
_DPW = _D // _NW
_CHB = 4096
_CPL = _B // _CHB
_CPD = _L * _CPL
_CPW = _DPW * _CPD
_WPC = _CHB // 32
_NVREG = _CHB // 16
_TD, _TB = 8, 128
_CQB = _CHB // _TB

_mesh = plsc.VectorSubcoreMesh(core_axis_name="c", subcore_axis_name="s")


@functools.partial(
    pl.kernel,
    out_type=jax.ShapeDtypeStruct(
        (_L, _D // _TD, _B // _TB, _TD, _TB), jnp.float32),
    mesh=_mesh,
    scratch_types=[
        pltpu.VMEM((_VOCAB,), jnp.float32),
        pltpu.VMEM((_CHB,), jnp.int32),
        pltpu.VMEM((_CHB,), jnp.int32),
        pltpu.VMEM((_CQB, _TB), jnp.float32),
        pltpu.VMEM((_CQB, _TB), jnp.float32),
        pltpu.VMEM((_WPC,), jnp.uint32),
        pltpu.VMEM((_WPC,), jnp.uint32),
        pltpu.SemaphoreType.DMA,
        pltpu.SemaphoreType.DMA,
        pltpu.SemaphoreType.DMA,
        pltpu.SemaphoreType.DMA,
        pltpu.SemaphoreType.DMA,
        pltpu.SemaphoreType.DMA,
    ],
    compiler_params=pltpu.CompilerParams(
        use_tc_tiling_on_sc=False, needs_layout_passes=False),
)
def _sc_col_gather_dropout(srcT_hbm, embT_hbm, planes_hbm, out_hbm,
                           table_v, idx0, idx1, o0, o1, p0, p1,
                           isem0, isem1, osem0, osem1, psem0, psem1):
    wid = lax.axis_index("s") * _NC + lax.axis_index("c")
    d_base = wid * _DPW
    idxb, outb, plnb = (idx0, idx1), (o0, o1), (p0, p1)
    isem, osem, psem = (isem0, isem1), (osem0, osem1), (psem0, psem1)

    def coords(i):
        d = d_base + i // _CPD
        r = i % _CPD
        l = r // _CPL
        b0 = pl.multiple_of((r % _CPL) * _CHB, _CHB)
        return d, l, b0

    def start_in(i, b):
        d, l, b0 = coords(i)
        pltpu.async_copy(srcT_hbm.at[l, pl.ds(b0, _CHB)], idxb[b], isem[b])
        w0 = pl.multiple_of(((l * _D + d) * _B + b0) // 32, _WPC)
        pltpu.async_copy(planes_hbm.at[pl.ds(w0, _WPC)], plnb[b], psem[b])

    def wait_in(i, b):
        d, l, b0 = coords(i)
        pltpu.make_async_copy(
            srcT_hbm.at[l, pl.ds(b0, _CHB)], idxb[b], isem[b]).wait()
        w0 = pl.multiple_of(((l * _D + d) * _B + b0) // 32, _WPC)
        pltpu.make_async_copy(
            planes_hbm.at[pl.ds(w0, _WPC)], plnb[b], psem[b]).wait()

    def start_out(i, b):
        d, l, b0 = coords(i)
        bq0 = pl.multiple_of(b0 // _TB, _CQB)
        pltpu.async_copy(
            outb[b], out_hbm.at[l, d // _TD, pl.ds(bq0, _CQB), d % _TD],
            osem[b])

    def wait_out(i, b):
        d, l, b0 = coords(i)
        bq0 = pl.multiple_of(b0 // _TB, _CQB)
        pltpu.make_async_copy(
            outb[b], out_hbm.at[l, d // _TD, pl.ds(bq0, _CQB), d % _TD],
            osem[b]).wait()

    def compute(b):
        @plsc.parallel_loop(0, _NVREG, unroll=16)
        def _(v):
            sl = pl.ds(pl.multiple_of(v * 16, 16), 16)
            s16 = pl.multiple_of((v // 32) * 16, 16)
            plane = plnb[b][pl.ds(s16, 16)]
            t = (v % 32).astype(jnp.uint32)
            g = plsc.load_gather(table_v, [idxb[b][sl]])
            bit = (plane >> t) & np.uint32(1)
            row = v // (_TB // 16)
            col = pl.multiple_of((v % (_TB // 16)) * 16, 16)
            outb[b][row, pl.ds(col, 16)] = g * (bit.astype(jnp.float32)
                                                * np.float32(1.0 / _KEEP))

    start_in(0, 0)
    start_in(1, 1)

    def step(i0, _):
        for b in range(2):
            i = i0 * 2 + b

            @pl.when(i % _CPD == 0)
            def _():
                pltpu.sync_copy(embT_hbm.at[d_base + i // _CPD], table_v)

            wait_in(i, b)

            @pl.when(i >= 2)
            def _():
                wait_out(i - 2, b)

            compute(b)
            start_out(i, b)

            @pl.when(i + 2 < _CPW)
            def _():
                start_in(i + 2, b)
        return 0

    lax.fori_loop(0, _CPW // 2, step, 0)
    wait_out(_CPW - 2, 0)
    wait_out(_CPW - 1, 1)


def _rotl32(x, d):
    return (x << np.uint32(d)) | (x >> np.uint32(32 - d))


def _threefry2x32_np(k1, k2, x0, x1):
    rot = (13, 15, 26, 6, 17, 29, 16, 24)
    ks = [np.uint32(k1), np.uint32(k2),
          np.uint32(k1) ^ np.uint32(k2) ^ np.uint32(0x1BD11BDA)]
    x = [x0 + ks[0], x1 + ks[1]]

    def rounds(x, rs):
        for r in rs:
            x[0] = x[0] + x[1]
            x[1] = _rotl32(x[1], r)
            x[1] = x[0] ^ x[1]
        return x

    x = rounds(x, rot[:4])
    x[0] = x[0] + ks[1]; x[1] = x[1] + ks[2] + np.uint32(1)
    x = rounds(x, rot[4:])
    x[0] = x[0] + ks[2]; x[1] = x[1] + ks[0] + np.uint32(2)
    x = rounds(x, rot[:4])
    x[0] = x[0] + ks[0]; x[1] = x[1] + ks[1] + np.uint32(3)
    x = rounds(x, rot[4:])
    x[0] = x[0] + ks[1]; x[1] = x[1] + ks[2] + np.uint32(4)
    x = rounds(x, rot[:4])
    x[0] = x[0] + ks[2]; x[1] = x[1] + ks[0] + np.uint32(5)
    return x


_PLANES_CACHE = []


def _dropout_planes() -> np.ndarray:
    if not _PLANES_CACHE:
        with np.errstate(over="ignore"):
            n = _B * _L * _D
            i = np.arange(n, dtype=np.uint64)
            x0 = (i >> np.uint64(32)).astype(np.uint32)
            x1 = i.astype(np.uint32)
            h = _threefry2x32_np(np.uint32(0), np.uint32(42), x0, x1)
            bits = h[0] ^ h[1]
            float_bits = (bits >> np.uint32(9)) | np.uint32(0x3F800000)
            floats = float_bits.view(np.float32) - np.float32(1.0)
            keep = floats < np.float32(_KEEP)
            keep_ldb = keep.reshape(_B, _L, _D).transpose(1, 2, 0)
            g = keep_ldb.reshape(-1, 32, 16).astype(np.uint32)
            words = (g << np.arange(32, dtype=np.uint32)[None, :, None]).sum(
                axis=1, dtype=np.uint32)
        _PLANES_CACHE.append(np.ascontiguousarray(words.reshape(-1)))
    return _PLANES_CACHE[0]


def kernel(src, embeds):
    planes = jnp.asarray(_dropout_planes())
    out5 = _sc_col_gather_dropout(src.T, embeds.T, planes)
    return jnp.transpose(out5, (2, 4, 0, 1, 3)).reshape(_B, _L, _D)

# --- scband reference (transcript-rebuilt; emitter-appended) ---
"""Pipeline reference for scband-ffnn-42554535969259 (READ-ONLY COPY).

The authoritative reference and input builder live on the scoring server;
editing this copy changes nothing except your own understanding.
"""

import jax, jax.numpy as jnp
import numpy as np

VOCAB_SIZE = 100000
D_MODEL = 64
BATCH = 16384
SEQ = 20
P_DROP = 0.1


def setup_inputs(seed: int = 0) -> dict:
    key = jax.random.key(seed)
    k1, k2 = jax.random.split(key)
    src = jax.random.randint(k1, (BATCH, SEQ), 0, VOCAB_SIZE, dtype=jnp.int32)
    # learned embedding table (nn.Embedding weight), default normal init
    embeds = jax.random.normal(k2, (VOCAB_SIZE, D_MODEL), dtype=jnp.float32)
    return {"src": src, "embeds": embeds}


def reference(src, embeds):
    # embedding gather: embeds(src)
    emb = jnp.take(embeds, src, axis=0)  # [B, L, d_model]
    # dropout with a fixed mask (training-mode dropout, deterministic key)
    mask = jax.random.bernoulli(jax.random.key(42), 1.0 - P_DROP, emb.shape)
    out = jnp.where(mask, emb / (1.0 - P_DROP), 0.0)
    return out

if __name__ == "__main__":
    import jax
    _d = setup_inputs()
    print(jax.jit(kernel)(*tuple(_d.values())))

</pallas_src>

<mosaic_0001>
#map = affine_map<(d0, d1) -> (0, 0)>
#map1 = affine_map<(d0, d1) -> (0)>
#map2 = affine_map<(d0, d1) -> (0, 0, 0, 0, 0)>
module attributes {stable_mosaic.version = 14 : i64} {
  func.func @_sc_col_gather_dropout(%arg0: i32, %arg1: i32, %arg2: memref<20x16384xi32, #tpu.memory_space<hbm>>, %arg3: memref<64x100000xf32, #tpu.memory_space<hbm>>, %arg4: memref<655360xi32, #tpu.memory_space<hbm>>, %arg5: memref<20x8x128x8x128xf32, #tpu.memory_space<hbm>>, %arg6: memref<100000xf32, #tpu.memory_space<vmem>>, %arg7: memref<4096xi32, #tpu.memory_space<vmem>>, %arg8: memref<4096xi32, #tpu.memory_space<vmem>>, %arg9: memref<32x128xf32, #tpu.memory_space<vmem>>, %arg10: memref<32x128xf32, #tpu.memory_space<vmem>>, %arg11: memref<128xi32, #tpu.memory_space<vmem>>, %arg12: memref<128xi32, #tpu.memory_space<vmem>>, %arg13: memref<!tpu.dma_semaphore, #tpu.memory_space<semaphore_mem>>, %arg14: memref<!tpu.dma_semaphore, #tpu.memory_space<semaphore_mem>>, %arg15: memref<!tpu.dma_semaphore, #tpu.memory_space<semaphore_mem>>, %arg16: memref<!tpu.dma_semaphore, #tpu.memory_space<semaphore_mem>>, %arg17: memref<!tpu.dma_semaphore, #tpu.memory_space<semaphore_mem>>, %arg18: memref<!tpu.dma_semaphore, #tpu.memory_space<semaphore_mem>>) attributes {dimension_semantics = [#tpu.dimension_semantics<core_parallel>, #tpu.dimension_semantics<subcore_parallel>], iteration_bounds = array<i64: 2, 16>, scalar_prefetch = 0 : i64, scratch_operands = 13 : i64, tpu.core_type = #tpu.core_type<sc_vector_subcore>, window_params = [{transform_indices = #map}, {transform_indices = #map}, {transform_indices = #map1}, {transform_indices = #map2}]} {
    %mul3A = arith.constant 2 : i32
    %mul3A_0 = arith.muli %arg1, %mul3A : i32
    %add3A = arith.addi %mul3A_0, %arg0 : i32
    %mul3A_1 = arith.constant 2 : i32
    %mul3A_2 = arith.muli %add3A, %mul3A_1 : i32
    %add3A_3 = arith.constant 0 : i32
    %add3A_4 = arith.addi %mul3A_2, %add3A_3 : i32
    %multiple_of3A = arith.constant 0 : i32
    %multiple_of3A_5 = tpu.assume_multiple %multiple_of3A, 4096 : i32
    %dma_start3A = arith.constant 0 : i32
    %dma_start3A_6 = tpu.memref_slice %arg2[%dma_start3A, %multiple_of3A_5] : memref<20x16384xi32, #tpu.memory_space<hbm>> -> memref<1x4096xi32, #tpu.memory_space<hbm>>
    %dma_start3A_7 = tpu.memref_squeeze %dma_start3A_6 : memref<1x4096xi32, #tpu.memory_space<hbm>> -> memref<4096xi32, #tpu.memory_space<hbm>>
    %dma_start3A_8 = tpu.memref_slice %arg2[%dma_start3A, %multiple_of3A_5] : memref<20x16384xi32, #tpu.memory_space<hbm>> -> memref<1x4096xi32, #tpu.memory_space<hbm>>
    %dma_start3A_9 = tpu.memref_squeeze %dma_start3A_8 : memref<1x4096xi32, #tpu.memory_space<hbm>> -> memref<4096xi32, #tpu.memory_space<hbm>>
    tpu.enqueue_dma source(%dma_start3A_9 : memref<4096xi32, #tpu.memory_space<hbm>>) target(%arg7 : memref<4096xi32, #tpu.memory_space<vmem>>) target_semaphore(%arg13 : memref<!tpu.dma_semaphore, #tpu.memory_space<semaphore_mem>>)
    %add3A_10 = arith.constant 0 : i32
    %add3A_11 = arith.addi %add3A_10, %add3A_4 : i32
    %mul3A_12 = arith.constant 16384 : i32
    %mul3A_13 = arith.muli %add3A_11, %mul3A_12 : i32
    %add3A_14 = arith.addi %mul3A_13, %multiple_of3A_5 : i32
    %jit3A = arith.constant 32 : i32
    %div3A = arith.divsi %add3A_14, %jit3A : i32
    %sign3A = arith.constant 0 : i32
    %sign3A_15 = arith.cmpi sgt, %add3A_14, %sign3A : i32
    %sign3A_16 = arith.extui %sign3A_15 : i1 to i32
    %sign3A_17 = arith.constant 0 : i32
    %sign3A_18 = arith.cmpi slt, %add3A_14, %sign3A_17 : i32
    %sign3A_19 = arith.extui %sign3A_18 : i1 to i32
    %sign3A_20 = arith.subi %sign3A_16, %sign3A_19 : i32
    %sign3A_21 = arith.constant 0 : i32
    %sign3A_22 = arith.cmpi sgt, %jit3A, %sign3A_21 : i32
    %sign3A_23 = arith.extui %sign3A_22 : i1 to i32
    %sign3A_24 = arith.constant 0 : i32
    %sign3A_25 = arith.cmpi slt, %jit3A, %sign3A_24 : i32
    %sign3A_26 = arith.extui %sign3A_25 : i1 to i32
    %sign3A_27 = arith.subi %sign3A_23, %sign3A_26 : i32
    %ne3A = arith.cmpi ne, %sign3A_20, %sign3A_27 : i32
    %rem3A = arith.remsi %add3A_14, %jit3A : i32
    %ne3A_28 = arith.constant 0 : i32
    %ne3A_29 = arith.cmpi ne, %rem3A, %ne3A_28 : i32
    %and3A = arith.andi %ne3A, %ne3A_29 : i1
    %sub3A = arith.constant 1 : i32
    %sub3A_30 = arith.subi %div3A, %sub3A : i32
    %select_n3A = arith.select %and3A, %sub3A_30, %div3A : i32
    %multiple_of3A_31 = tpu.assume_multiple %select_n3A, 128 : i32
    %dma_start3A_32 = tpu.memref_slice %arg4[%multiple_of3A_31] : memref<655360xi32, #tpu.memory_space<hbm>> -> memref<128xi32, #tpu.memory_space<hbm>>
    %dma_start3A_33 = tpu.memref_slice %arg4[%multiple_of3A_31] : memref<655360xi32, #tpu.memory_space<hbm>> -> memref<128xi32, #tpu.memory_space<hbm>>
    tpu.enqueue_dma source(%dma_start3A_33 : memref<128xi32, #tpu.memory_space<hbm>>) target(%arg11 : memref<128xi32, #tpu.memory_space<vmem>>) target_semaphore(%arg17 : memref<!tpu.dma_semaphore, #tpu.memory_space<semaphore_mem>>)
    %add3A_34 = arith.constant 0 : i32
    %add3A_35 = arith.addi %mul3A_2, %add3A_34 : i32
    %multiple_of3A_36 = arith.constant 4096 : i32
    %multiple_of3A_37 = tpu.assume_multiple %multiple_of3A_36, 4096 : i32
    %dma_start3A_38 = arith.constant 0 : i32
    %dma_start3A_39 = tpu.memref_slice %arg2[%dma_start3A_38, %multiple_of3A_37] : memref<20x16384xi32, #tpu.memory_space<hbm>> -> memref<1x4096xi32, #tpu.memory_space<hbm>>
    %dma_start3A_40 = tpu.memref_squeeze %dma_start3A_39 : memref<1x4096xi32, #tpu.memory_space<hbm>> -> memref<4096xi32, #tpu.memory_space<hbm>>
    %dma_start3A_41 = tpu.memref_slice %arg2[%dma_start3A_38, %multiple_of3A_37] : memref<20x16384xi32, #tpu.memory_space<hbm>> -> memref<1x4096xi32, #tpu.memory_space<hbm>>
    %dma_start3A_42 = tpu.memref_squeeze %dma_start3A_41 : memref<1x4096xi32, #tpu.memory_space<hbm>> -> memref<4096xi32, #tpu.memory_space<hbm>>
    tpu.enqueue_dma source(%dma_start3A_42 : memref<4096xi32, #tpu.memory_space<hbm>>) target(%arg8 : memref<4096xi32, #tpu.memory_space<vmem>>) target_semaphore(%arg14 : memref<!tpu.dma_semaphore, #tpu.memory_space<semaphore_mem>>)
    %add3A_43 = arith.constant 0 : i32
    %add3A_44 = arith.addi %add3A_43, %add3A_35 : i32
    %mul3A_45 = arith.constant 16384 : i32
    %mul3A_46 = arith.muli %add3A_44, %mul3A_45 : i32
    %add3A_47 = arith.addi %mul3A_46, %multiple_of3A_37 : i32
    %jit3A_48 = arith.constant 32 : i32
    %div3A_49 = arith.divsi %add3A_47, %jit3A_48 : i32
    %sign3A_50 = arith.constant 0 : i32
    %sign3A_51 = arith.cmpi sgt, %add3A_47, %sign3A_50 : i32
    %sign3A_52 = arith.extui %sign3A_51 : i1 to i32
    %sign3A_53 = arith.constant 0 : i32
    %sign3A_54 = arith.cmpi slt, %add3A_47, %sign3A_53 : i32
    %sign3A_55 = arith.extui %sign3A_54 : i1 to i32
    %sign3A_56 = arith.subi %sign3A_52, %sign3A_55 : i32
    %sign3A_57 = arith.constant 0 : i32
    %sign3A_58 = arith.cmpi sgt, %jit3A_48, %sign3A_57 : i32
    %sign3A_59 = arith.extui %sign3A_58 : i1 to i32
    %sign3A_60 = arith.constant 0 : i32
    %sign3A_61 = arith.cmpi slt, %jit3A_48, %sign3A_60 : i32
    %sign3A_62 = arith.extui %sign3A_61 : i1 to i32
    %sign3A_63 = arith.subi %sign3A_59, %sign3A_62 : i32
    %ne3A_64 = arith.cmpi ne, %sign3A_56, %sign3A_63 : i32
    %rem3A_65 = arith.remsi %add3A_47, %jit3A_48 : i32
    %ne3A_66 = arith.constant 0 : i32
    %ne3A_67 = arith.cmpi ne, %rem3A_65, %ne3A_66 : i32
    %and3A_68 = arith.andi %ne3A_64, %ne3A_67 : i1
    %sub3A_69 = arith.constant 1 : i32
    %sub3A_70 = arith.subi %div3A_49, %sub3A_69 : i32
    %select_n3A_71 = arith.select %and3A_68, %sub3A_70, %div3A_49 : i32
    %multiple_of3A_72 = tpu.assume_multiple %select_n3A_71, 128 : i32
    %dma_start3A_73 = tpu.memref_slice %arg4[%multiple_of3A_72] : memref<655360xi32, #tpu.memory_space<hbm>> -> memref<128xi32, #tpu.memory_space<hbm>>
    %dma_start3A_74 = tpu.memref_slice %arg4[%multiple_of3A_72] : memref<655360xi32, #tpu.memory_space<hbm>> -> memref<128xi32, #tpu.memory_space<hbm>>
    tpu.enqueue_dma source(%dma_start3A_74 : memref<128xi32, #tpu.memory_space<hbm>>) target(%arg12 : memref<128xi32, #tpu.memory_space<vmem>>) target_semaphore(%arg18 : memref<!tpu.dma_semaphore, #tpu.memory_space<semaphore_mem>>)
    %scan3A = arith.constant 0 : i32
    %scan3A_75 = arith.constant 0 : i32
    %scan3A_76 = arith.constant 80 : i32
    %scan3A_77 = arith.addi %scan3A_75, %scan3A_76 : i32
    %scan3A_78 = arith.constant 1 : i32
    %scan3A_79 = scf.for %scan3A_230 = %scan3A_75 to %scan3A_77 step %scan3A_78 iter_args(%scan3A_231 = %scan3A) -> (i32)  : i32 {
      %mul3A_232 = arith.constant 2 : i32
      %mul3A_233 = arith.muli %scan3A_230, %mul3A_232 : i32
      %add3A_234 = arith.constant 0 : i32
      %add3A_235 = arith.addi %mul3A_233, %add3A_234 : i32
      %jit3A_236 = arith.constant 80 : i32
      %eq3A_237 = arith.constant 0 : i32
      %eq3A_238 = arith.cmpi eq, %jit3A_236, %eq3A_237 : i32
      %jit3A_239 = arith.constant 1 : i32
      %select_n3A_240 = arith.select %eq3A_238, %jit3A_239, %jit3A_236 : i32
      %rem3A_241 = arith.remsi %add3A_235, %select_n3A_240 : i32
      %ne3A_242 = arith.constant 0 : i32
      %ne3A_243 = arith.cmpi ne, %rem3A_241, %ne3A_242 : i32
      %lt3A_244 = arith.constant 0 : i32
      %lt3A_245 = arith.cmpi slt, %rem3A_241, %lt3A_244 : i32
      %lt3A_246 = arith.constant 0 : i32
      %lt3A_247 = arith.cmpi slt, %select_n3A_240, %lt3A_246 : i32
      %ne3A_248 = arith.xori %lt3A_245, %lt3A_247 : i1
      %and3A_249 = arith.andi %ne3A_248, %ne3A_243 : i1
      %add3A_250 = arith.addi %rem3A_241, %select_n3A_240 : i32
      %select_n3A_251 = arith.select %and3A_249, %add3A_250, %rem3A_241 : i32
      %eq3A_252 = arith.constant 0 : i32
      %eq3A_253 = arith.cmpi eq, %select_n3A_251, %eq3A_252 : i32
      %convert_element_type3A = arith.extui %eq3A_253 : i1 to i32
      %cond3A = arith.constant 0 : i32
      %cond3A_254 = arith.cmpi ne, %convert_element_type3A, %cond3A : i32
      scf.if %cond3A_254 {
        %jit3A_861 = arith.constant 80 : i32
        %div3A_862 = arith.divsi %add3A_235, %jit3A_861 : i32
        %sign3A_863 = arith.constant 0 : i32
        %sign3A_864 = arith.cmpi sgt, %add3A_235, %sign3A_863 : i32
        %sign3A_865 = arith.extui %sign3A_864 : i1 to i32
        %sign3A_866 = arith.constant 0 : i32
        %sign3A_867 = arith.cmpi slt, %add3A_235, %sign3A_866 : i32
        %sign3A_868 = arith.extui %sign3A_867 : i1 to i32
        %sign3A_869 = arith.subi %sign3A_865, %sign3A_868 : i32
        %sign3A_870 = arith.constant 0 : i32
        %sign3A_871 = arith.cmpi sgt, %jit3A_861, %sign3A_870 : i32
        %sign3A_872 = arith.extui %sign3A_871 : i1 to i32
        %sign3A_873 = arith.constant 0 : i32
        %sign3A_874 = arith.cmpi slt, %jit3A_861, %sign3A_873 : i32
        %sign3A_875 = arith.extui %sign3A_874 : i1 to i32
        %sign3A_876 = arith.subi %sign3A_872, %sign3A_875 : i32
        %ne3A_877 = arith.cmpi ne, %sign3A_869, %sign3A_876 : i32
        %rem3A_878 = arith.remsi %add3A_235, %jit3A_861 : i32
        %ne3A_879 = arith.constant 0 : i32
        %ne3A_880 = arith.cmpi ne, %rem3A_878, %ne3A_879 : i32
        %and3A_881 = arith.andi %ne3A_877, %ne3A_880 : i1
        %sub3A_882 = arith.constant 1 : i32
        %sub3A_883 = arith.subi %div3A_862, %sub3A_882 : i32
        %select_n3A_884 = arith.select %and3A_881, %sub3A_883, %div3A_862 : i32
        %add3A_885 = arith.addi %mul3A_2, %select_n3A_884 : i32
        "tpu.region"() ({
          %run_scoped3A = tpu.sem_alloc : memref<!tpu.dma_semaphore, #tpu.memory_space<semaphore_mem>>
          %dma_start3A_886 = arith.constant 0 : i32
          %dma_start3A_887 = tpu.memref_slice %arg3[%add3A_885, %dma_start3A_886] : memref<64x100000xf32, #tpu.memory_space<hbm>> -> memref<1x100000xf32, #tpu.memory_space<hbm>>
          %dma_start3A_888 = tpu.memref_squeeze %dma_start3A_887 : memref<1x100000xf32, #tpu.memory_space<hbm>> -> memref<100000xf32, #tpu.memory_space<hbm>>
          %dma_start3A_889 = arith.constant 0 : i32
          %dma_start3A_890 = tpu.memref_slice %arg3[%add3A_885, %dma_start3A_889] : memref<64x100000xf32, #tpu.memory_space<hbm>> -> memref<1x100000xf32, #tpu.memory_space<hbm>>
          %dma_start3A_891 = tpu.memref_squeeze %dma_start3A_890 : memref<1x100000xf32, #tpu.memory_space<hbm>> -> memref<100000xf32, #tpu.memory_space<hbm>>
          tpu.enqueue_dma source(%dma_start3A_891 : memref<100000xf32, #tpu.memory_space<hbm>>) target(%arg6 : memref<100000xf32, #tpu.memory_space<vmem>>) target_semaphore(%run_scoped3A : memref<!tpu.dma_semaphore, #tpu.memory_space<semaphore_mem>>)
          %dma_wait3A_892 = arith.constant 0 : i32
          %dma_wait3A_893 = tpu.memref_slice %arg3[%add3A_885, %dma_wait3A_892] : memref<64x100000xf32, #tpu.memory_space<hbm>> -> memref<1x100000xf32, #tpu.memory_space<hbm>>
          %dma_wait3A_894 = tpu.memref_squeeze %dma_wait3A_893 : memref<1x100000xf32, #tpu.memory_space<hbm>> -> memref<100000xf32, #tpu.memory_space<hbm>>
          %dma_wait3A_895 = arith.constant 0 : i32
          %dma_wait3A_896 = tpu.memref_slice %arg3[%add3A_885, %dma_wait3A_895] : memref<64x100000xf32, #tpu.memory_space<hbm>> -> memref<1x100000xf32, #tpu.memory_space<hbm>>
          %dma_wait3A_897 = tpu.memref_squeeze %dma_wait3A_896 : memref<1x100000xf32, #tpu.memory_space<hbm>> -> memref<100000xf32, #tpu.memory_space<hbm>>
          tpu.wait_dma2 semaphore(%run_scoped3A : memref<!tpu.dma_semaphore, #tpu.memory_space<semaphore_mem>>) src(%dma_wait3A_897 : memref<100000xf32, #tpu.memory_space<hbm>>) dst(%arg6 : memref<100000xf32, #tpu.memory_space<vmem>>)
          tpu.yield
        }) : () -> ()
      } else {
      }
      %jit3A_255 = arith.constant 80 : i32
      %div3A_256 = arith.divsi %add3A_235, %jit3A_255 : i32
      %sign3A_257 = arith.constant 0 : i32
      %sign3A_258 = arith.cmpi sgt, %add3A_235, %sign3A_257 : i32
      %sign3A_259 = arith.extui %sign3A_258 : i1 to i32
      %sign3A_260 = arith.constant 0 : i32
      %sign3A_261 = arith.cmpi slt, %add3A_235, %sign3A_260 : i32
      %sign3A_262 = arith.extui %sign3A_261 : i1 to i32
      %sign3A_263 = arith.subi %sign3A_259, %sign3A_262 : i32
      %sign3A_264 = arith.constant 0 : i32
      %sign3A_265 = arith.cmpi sgt, %jit3A_255, %sign3A_264 : i32
      %sign3A_266 = arith.extui %sign3A_265 : i1 to i32
      %sign3A_267 = arith.constant 0 : i32
      %sign3A_268 = arith.cmpi slt, %jit3A_255, %sign3A_267 : i32
      %sign3A_269 = arith.extui %sign3A_268 : i1 to i32
      %sign3A_270 = arith.subi %sign3A_266, %sign3A_269 : i32
      %ne3A_271 = arith.cmpi ne, %sign3A_263, %sign3A_270 : i32
      %rem3A_272 = arith.remsi %add3A_235, %jit3A_255 : i32
      %ne3A_273 = arith.constant 0 : i32
      %ne3A_274 = arith.cmpi ne, %rem3A_272, %ne3A_273 : i32
      %and3A_275 = arith.andi %ne3A_271, %ne3A_274 : i1
      %sub3A_276 = arith.constant 1 : i32
      %sub3A_277 = arith.subi %div3A_256, %sub3A_276 : i32
      %select_n3A_278 = arith.select %and3A_275, %sub3A_277, %div3A_256 : i32
      %add3A_279 = arith.addi %mul3A_2, %select_n3A_278 : i32
      %jit3A_280 = arith.constant 80 : i32
      %eq3A_281 = arith.constant 0 : i32
      %eq3A_282 = arith.cmpi eq, %jit3A_280, %eq3A_281 : i32
      %jit3A_283 = arith.constant 1 : i32
      %select_n3A_284 = arith.select %eq3A_282, %jit3A_283, %jit3A_280 : i32
      %rem3A_285 = arith.remsi %add3A_235, %select_n3A_284 : i32
      %ne3A_286 = arith.constant 0 : i32
      %ne3A_287 = arith.cmpi ne, %rem3A_285, %ne3A_286 : i32
      %lt3A_288 = arith.constant 0 : i32
      %lt3A_289 = arith.cmpi slt, %rem3A_285, %lt3A_288 : i32
      %lt3A_290 = arith.constant 0 : i32
      %lt3A_291 = arith.cmpi slt, %select_n3A_284, %lt3A_290 : i32
      %ne3A_292 = arith.xori %lt3A_289, %lt3A_291 : i1
      %and3A_293 = arith.andi %ne3A_292, %ne3A_287 : i1
      %add3A_294 = arith.addi %rem3A_285, %select_n3A_284 : i32
      %select_n3A_295 = arith.select %and3A_293, %add3A_294, %rem3A_285 : i32
      %jit3A_296 = arith.constant 4 : i32
      %div3A_297 = arith.divsi %select_n3A_295, %jit3A_296 : i32
      %sign3A_298 = arith.constant 0 : i32
      %sign3A_299 = arith.cmpi sgt, %select_n3A_295, %sign3A_298 : i32
      %sign3A_300 = arith.extui %sign3A_299 : i1 to i32
      %sign3A_301 = arith.constant 0 : i32
      %sign3A_302 = arith.cmpi slt, %select_n3A_295, %sign3A_301 : i32
      %sign3A_303 = arith.extui %sign3A_302 : i1 to i32
      %sign3A_304 = arith.subi %sign3A_300, %sign3A_303 : i32
      %sign3A_305 = arith.constant 0 : i32
      %sign3A_306 = arith.cmpi sgt, %jit3A_296, %sign3A_305 : i32
      %sign3A_307 = arith.extui %sign3A_306 : i1 to i32
      %sign3A_308 = arith.constant 0 : i32
      %sign3A_309 = arith.cmpi slt, %jit3A_296, %sign3A_308 : i32
      %sign3A_310 = arith.extui %sign3A_309 : i1 to i32
      %sign3A_311 = arith.subi %sign3A_307, %sign3A_310 : i32
      %ne3A_312 = arith.cmpi ne, %sign3A_304, %sign3A_311 : i32
      %rem3A_313 = arith.remsi %select_n3A_295, %jit3A_296 : i32
      %ne3A_314 = arith.constant 0 : i32
      %ne3A_315 = arith.cmpi ne, %rem3A_313, %ne3A_314 : i32
      %and3A_316 = arith.andi %ne3A_312, %ne3A_315 : i1
      %sub3A_317 = arith.constant 1 : i32
      %sub3A_318 = arith.subi %div3A_297, %sub3A_317 : i32
      %select_n3A_319 = arith.select %and3A_316, %sub3A_318, %div3A_297 : i32
      %jit3A_320 = arith.constant 4 : i32
      %eq3A_321 = arith.constant 0 : i32
      %eq3A_322 = arith.cmpi eq, %jit3A_320, %eq3A_321 : i32
      %jit3A_323 = arith.constant 1 : i32
      %select_n3A_324 = arith.select %eq3A_322, %jit3A_323, %jit3A_320 : i32
      %rem3A_325 = arith.remsi %select_n3A_295, %select_n3A_324 : i32
      %ne3A_326 = arith.constant 0 : i32
      %ne3A_327 = arith.cmpi ne, %rem3A_325, %ne3A_326 : i32
      %lt3A_328 = arith.constant 0 : i32
      %lt3A_329 = arith.cmpi slt, %rem3A_325, %lt3A_328 : i32
      %lt3A_330 = arith.constant 0 : i32
      %lt3A_331 = arith.cmpi slt, %select_n3A_324, %lt3A_330 : i32
      %ne3A_332 = arith.xori %lt3A_329, %lt3A_331 : i1
      %and3A_333 = arith.andi %ne3A_332, %ne3A_327 : i1
      %add3A_334 = arith.addi %rem3A_325, %select_n3A_324 : i32
      %select_n3A_335 = arith.select %and3A_333, %add3A_334, %rem3A_325 : i32
      %mul3A_336 = arith.constant 4096 : i32
      %mul3A_337 = arith.muli %select_n3A_335, %mul3A_336 : i32
      %multiple_of3A_338 = tpu.assume_multiple %mul3A_337, 4096 : i32
      %dma_wait3A_339 = tpu.memref_slice %arg2[%select_n3A_319, %multiple_of3A_338] : memref<20x16384xi32, #tpu.memory_space<hbm>> -> memref<1x4096xi32, #tpu.memory_space<hbm>>
      %dma_wait3A_340 = tpu.memref_squeeze %dma_wait3A_339 : memref<1x4096xi32, #tpu.memory_space<hbm>> -> memref<4096xi32, #tpu.memory_space<hbm>>
      %dma_wait3A_341 = tpu.memref_slice %arg2[%select_n3A_319, %multiple_of3A_338] : memref<20x16384xi32, #tpu.memory_space<hbm>> -> memref<1x4096xi32, #tpu.memory_space<hbm>>
      %dma_wait3A_342 = tpu.memref_squeeze %dma_wait3A_341 : memref<1x4096xi32, #tpu.memory_space<hbm>> -> memref<4096xi32, #tpu.memory_space<hbm>>
      tpu.wait_dma2 semaphore(%arg13 : memref<!tpu.dma_semaphore, #tpu.memory_space<semaphore_mem>>) src(%dma_wait3A_342 : memref<4096xi32, #tpu.memory_space<hbm>>) dst(%arg7 : memref<4096xi32, #tpu.memory_space<vmem>>)
      %mul3A_343 = arith.constant 64 : i32
      %mul3A_344 = arith.muli %select_n3A_319, %mul3A_343 : i32
      %add3A_345 = arith.addi %mul3A_344, %add3A_279 : i32
      %mul3A_346 = arith.constant 16384 : i32
      %mul3A_347 = arith.muli %add3A_345, %mul3A_346 : i32
      %add3A_348 = arith.addi %mul3A_347, %multiple_of3A_338 : i32
      %jit3A_349 = arith.constant 32 : i32
      %div3A_350 = arith.divsi %add3A_348, %jit3A_349 : i32
      %sign3A_351 = arith.constant 0 : i32
      %sign3A_352 = arith.cmpi sgt, %add3A_348, %sign3A_351 : i32
      %sign3A_353 = arith.extui %sign3A_352 : i1 to i32
      %sign3A_354 = arith.constant 0 : i32
      %sign3A_355 = arith.cmpi slt, %add3A_348, %sign3A_354 : i32
      %sign3A_356 = arith.extui %sign3A_355 : i1 to i32
      %sign3A_357 = arith.subi %sign3A_353, %sign3A_356 : i32
      %sign3A_358 = arith.constant 0 : i32
      %sign3A_359 = arith.cmpi sgt, %jit3A_349, %sign3A_358 : i32
      %sign3A_360 = arith.extui %sign3A_359 : i1 to i32
      %sign3A_361 = arith.constant 0 : i32
      %sign3A_362 = arith.cmpi slt, %jit3A_349, %sign3A_361 : i32
      %sign3A_363 = arith.extui %sign3A_362 : i1 to i32
      %sign3A_364 = arith.subi %sign3A_360, %sign3A_363 : i32
      %ne3A_365 = arith.cmpi ne, %sign3A_357, %sign3A_364 : i32
      %rem3A_366 = arith.remsi %add3A_348, %jit3A_349 : i32
      %ne3A_367 = arith.constant 0 : i32
      %ne3A_368 = arith.cmpi ne, %rem3A_366, %ne3A_367 : i32
      %and3A_369 = arith.andi %ne3A_365, %ne3A_368 : i1
      %sub3A_370 = arith.constant 1 : i32
      %sub3A_371 = arith.subi %div3A_350, %sub3A_370 : i32
      %select_n3A_372 = arith.select %and3A_369, %sub3A_371, %div3A_350 : i32
      %multiple_of3A_373 = tpu.assume_multiple %select_n3A_372, 128 : i32
      %dma_wait3A_374 = tpu.memref_slice %arg4[%multiple_of3A_373] : memref<655360xi32, #tpu.memory_space<hbm>> -> memref<128xi32, #tpu.memory_space<hbm>>
      %dma_wait3A_375 = tpu.memref_slice %arg4[%multiple_of3A_373] : memref<655360xi32, #tpu.memory_space<hbm>> -> memref<128xi32, #tpu.memory_space<hbm>>
      tpu.wait_dma2 semaphore(%arg17 : memref<!tpu.dma_semaphore, #tpu.memory_space<semaphore_mem>>) src(%dma_wait3A_375 : memref<128xi32, #tpu.memory_space<hbm>>) dst(%arg11 : memref<128xi32, #tpu.memory_space<vmem>>)
      %ge3A = arith.constant 2 : i32
      %ge3A_376 = arith.cmpi sge, %add3A_235, %ge3A : i32
      %convert_element_type3A_377 = arith.extui %ge3A_376 : i1 to i32
      %cond3A_378 = arith.constant 0 : i32
      %cond3A_379 = arith.cmpi ne, %convert_element_type3A_377, %cond3A_378 : i32
      scf.if %cond3A_379 {
        %sub3A_861 = arith.constant 2 : i32
        %sub3A_862 = arith.subi %add3A_235, %sub3A_861 : i32
        %jit3A_863 = arith.constant 80 : i32
        %div3A_864 = arith.divsi %sub3A_862, %jit3A_863 : i32
        %sign3A_865 = arith.constant 0 : i32
        %sign3A_866 = arith.cmpi sgt, %sub3A_862, %sign3A_865 : i32
        %sign3A_867 = arith.extui %sign3A_866 : i1 to i32
        %sign3A_868 = arith.constant 0 : i32
        %sign3A_869 = arith.cmpi slt, %sub3A_862, %sign3A_868 : i32
        %sign3A_870 = arith.extui %sign3A_869 : i1 to i32
        %sign3A_871 = arith.subi %sign3A_867, %sign3A_870 : i32
        %sign3A_872 = arith.constant 0 : i32
        %sign3A_873 = arith.cmpi sgt, %jit3A_863, %sign3A_872 : i32
        %sign3A_874 = arith.extui %sign3A_873 : i1 to i32
        %sign3A_875 = arith.constant 0 : i32
        %sign3A_876 = arith.cmpi slt, %jit3A_863, %sign3A_875 : i32
        %sign3A_877 = arith.extui %sign3A_876 : i1 to i32
        %sign3A_878 = arith.subi %sign3A_874, %sign3A_877 : i32
        %ne3A_879 = arith.cmpi ne, %sign3A_871, %sign3A_878 : i32
        %rem3A_880 = arith.remsi %sub3A_862, %jit3A_863 : i32
        %ne3A_881 = arith.constant 0 : i32
        %ne3A_882 = arith.cmpi ne, %rem3A_880, %ne3A_881 : i32
        %and3A_883 = arith.andi %ne3A_879, %ne3A_882 : i1
        %sub3A_884 = arith.constant 1 : i32
        %sub3A_885 = arith.subi %div3A_864, %sub3A_884 : i32
        %select_n3A_886 = arith.select %and3A_883, %sub3A_885, %div3A_864 : i32
        %add3A_887 = arith.addi %mul3A_2, %select_n3A_886 : i32
        %jit3A_888 = arith.constant 80 : i32
        %eq3A_889 = arith.constant 0 : i32
        %eq3A_890 = arith.cmpi eq, %jit3A_888, %eq3A_889 : i32
        %jit3A_891 = arith.constant 1 : i32
        %select_n3A_892 = arith.select %eq3A_890, %jit3A_891, %jit3A_888 : i32
        %rem3A_893 = arith.remsi %sub3A_862, %select_n3A_892 : i32
        %ne3A_894 = arith.constant 0 : i32
        %ne3A_895 = arith.cmpi ne, %rem3A_893, %ne3A_894 : i32
        %lt3A_896 = arith.constant 0 : i32
        %lt3A_897 = arith.cmpi slt, %rem3A_893, %lt3A_896 : i32
        %lt3A_898 = arith.constant 0 : i32
        %lt3A_899 = arith.cmpi slt, %select_n3A_892, %lt3A_898 : i32
        %ne3A_900 = arith.xori %lt3A_897, %lt3A_899 : i1
        %and3A_901 = arith.andi %ne3A_900, %ne3A_895 : i1
        %add3A_902 = arith.addi %rem3A_893, %select_n3A_892 : i32
        %select_n3A_903 = arith.select %and3A_901, %add3A_902, %rem3A_893 : i32
        %jit3A_904 = arith.constant 4 : i32
        %div3A_905 = arith.divsi %select_n3A_903, %jit3A_904 : i32
        %sign3A_906 = arith.constant 0 : i32
        %sign3A_907 = arith.cmpi sgt, %select_n3A_903, %sign3A_906 : i32
        %sign3A_908 = arith.extui %sign3A_907 : i1 to i32
        %sign3A_909 = arith.constant 0 : i32
        %sign3A_910 = arith.cmpi slt, %select_n3A_903, %sign3A_909 : i32
        %sign3A_911 = arith.extui %sign3A_910 : i1 to i32
        %sign3A_912 = arith.subi %sign3A_908, %sign3A_911 : i32
        %sign3A_913 = arith.constant 0 : i32
        %sign3A_914 = arith.cmpi sgt, %jit3A_904, %sign3A_913 : i32
        %sign3A_915 = arith.extui %sign3A_914 : i1 to i32
        %sign3A_916 = arith.constant 0 : i32
        %sign3A_917 = arith.cmpi slt, %jit3A_904, %sign3A_916 : i32
        %sign3A_918 = arith.extui %sign3A_917 : i1 to i32
        %sign3A_919 = arith.subi %sign3A_915, %sign3A_918 : i32
        %ne3A_920 = arith.cmpi ne, %sign3A_912, %sign3A_919 : i32
        %rem3A_921 = arith.remsi %select_n3A_903, %jit3A_904 : i32
        %ne3A_922 = arith.constant 0 : i32
        %ne3A_923 = arith.cmpi ne, %rem3A_921, %ne3A_922 : i32
        %and3A_924 = arith.andi %ne3A_920, %ne3A_923 : i1
        %sub3A_925 = arith.constant 1 : i32
        %sub3A_926 = arith.subi %div3A_905, %sub3A_925 : i32
        %select_n3A_927 = arith.select %and3A_924, %sub3A_926, %div3A_905 : i32
        %jit3A_928 = arith.constant 4 : i32
        %eq3A_929 = arith.constant 0 : i32
        %eq3A_930 = arith.cmpi eq, %jit3A_928, %eq3A_929 : i32
        %jit3A_931 = arith.constant 1 : i32
        %select_n3A_932 = arith.select %eq3A_930, %jit3A_931, %jit3A_928 : i32
        %rem3A_933 = arith.remsi %select_n3A_903, %select_n3A_932 : i32
        %ne3A_934 = arith.constant 0 : i32
        %ne3A_935 = arith.cmpi ne, %rem3A_933, %ne3A_934 : i32
        %lt3A_936 = arith.constant 0 : i32
        %lt3A_937 = arith.cmpi slt, %rem3A_933, %lt3A_936 : i32
        %lt3A_938 = arith.constant 0 : i32
        %lt3A_939 = arith.cmpi slt, %select_n3A_932, %lt3A_938 : i32
        %ne3A_940 = arith.xori %lt3A_937, %lt3A_939 : i1
        %and3A_941 = arith.andi %ne3A_940, %ne3A_935 : i1
        %add3A_942 = arith.addi %rem3A_933, %select_n3A_932 : i32
        %select_n3A_943 = arith.select %and3A_941, %add3A_942, %rem3A_933 : i32
        %mul3A_944 = arith.constant 4096 : i32
        %mul3A_945 = arith.muli %select_n3A_943, %mul3A_944 : i32
        %multiple_of3A_946 = tpu.assume_multiple %mul3A_945, 4096 : i32
        %jit3A_947 = arith.constant 128 : i32
        %div3A_948 = arith.divsi %multiple_of3A_946, %jit3A_947 : i32
        %sign3A_949 = arith.constant 0 : i32
        %sign3A_950 = arith.cmpi sgt, %multiple_of3A_946, %sign3A_949 : i32
        %sign3A_951 = arith.extui %sign3A_950 : i1 to i32
        %sign3A_952 = arith.constant 0 : i32
        %sign3A_953 = arith.cmpi slt, %multiple_of3A_946, %sign3A_952 : i32
        %sign3A_954 = arith.extui %sign3A_953 : i1 to i32
        %sign3A_955 = arith.subi %sign3A_951, %sign3A_954 : i32
        %sign3A_956 = arith.constant 0 : i32
        %sign3A_957 = arith.cmpi sgt, %jit3A_947, %sign3A_956 : i32
        %sign3A_958 = arith.extui %sign3A_957 : i1 to i32
        %sign3A_959 = arith.constant 0 : i32
        %sign3A_960 = arith.cmpi slt, %jit3A_947, %sign3A_959 : i32
        %sign3A_961 = arith.extui %sign3A_960 : i1 to i32
        %sign3A_962 = arith.subi %sign3A_958, %sign3A_961 : i32
        %ne3A_963 = arith.cmpi ne, %sign3A_955, %sign3A_962 : i32
        %rem3A_964 = arith.remsi %multiple_of3A_946, %jit3A_947 : i32
        %ne3A_965 = arith.constant 0 : i32
        %ne3A_966 = arith.cmpi ne, %rem3A_964, %ne3A_965 : i32
        %and3A_967 = arith.andi %ne3A_963, %ne3A_966 : i1
        %sub3A_968 = arith.constant 1 : i32
        %sub3A_969 = arith.subi %div3A_948, %sub3A_968 : i32
        %select_n3A_970 = arith.select %and3A_967, %sub3A_969, %div3A_948 : i32
        %multiple_of3A_971 = tpu.assume_multiple %select_n3A_970, 32 : i32
        %jit3A_972 = arith.constant 8 : i32
        %div3A_973 = arith.divsi %add3A_887, %jit3A_972 : i32
        %sign3A_974 = arith.constant 0 : i32
        %sign3A_975 = arith.cmpi sgt, %add3A_887, %sign3A_974 : i32
        %sign3A_976 = arith.extui %sign3A_975 : i1 to i32
        %sign3A_977 = arith.constant 0 : i32
        %sign3A_978 = arith.cmpi slt, %add3A_887, %sign3A_977 : i32
        %sign3A_979 = arith.extui %sign3A_978 : i1 to i32
        %sign3A_980 = arith.subi %sign3A_976, %sign3A_979 : i32
        %sign3A_981 = arith.constant 0 : i32
        %sign3A_982 = arith.cmpi sgt, %jit3A_972, %sign3A_981 : i32
        %sign3A_983 = arith.extui %sign3A_982 : i1 to i32
        %sign3A_984 = arith.constant 0 : i32
        %sign3A_985 = arith.cmpi slt, %jit3A_972, %sign3A_984 : i32
        %sign3A_986 = arith.extui %sign3A_985 : i1 to i32
        %sign3A_987 = arith.subi %sign3A_983, %sign3A_986 : i32
        %ne3A_988 = arith.cmpi ne, %sign3A_980, %sign3A_987 : i32
        %rem3A_989 = arith.remsi %add3A_887, %jit3A_972 : i32
        %ne3A_990 = arith.constant 0 : i32
        %ne3A_991 = arith.cmpi ne, %rem3A_989, %ne3A_990 : i32
        %and3A_992 = arith.andi %ne3A_988, %ne3A_991 : i1
        %sub3A_993 = arith.constant 1 : i32
        %sub3A_994 = arith.subi %div3A_973, %sub3A_993 : i32
        %select_n3A_995 = arith.select %and3A_992, %sub3A_994, %div3A_973 : i32
        %jit3A_996 = arith.constant 8 : i32
        %eq3A_997 = arith.constant 0 : i32
        %eq3A_998 = arith.cmpi eq, %jit3A_996, %eq3A_997 : i32
        %jit3A_999 = arith.constant 1 : i32
        %select_n3A_1000 = arith.select %eq3A_998, %jit3A_999, %jit3A_996 : i32
        %rem3A_1001 = arith.remsi %add3A_887, %select_n3A_1000 : i32
        %ne3A_1002 = arith.constant 0 : i32
        %ne3A_1003 = arith.cmpi ne, %rem3A_1001, %ne3A_1002 : i32
        %lt3A_1004 = arith.constant 0 : i32
        %lt3A_1005 = arith.cmpi slt, %rem3A_1001, %lt3A_1004 : i32
        %lt3A_1006 = arith.constant 0 : i32
        %lt3A_1007 = arith.cmpi slt, %select_n3A_1000, %lt3A_1006 : i32
        %ne3A_1008 = arith.xori %lt3A_1005, %lt3A_1007 : i1
        %and3A_1009 = arith.andi %ne3A_1008, %ne3A_1003 : i1
        %add3A_1010 = arith.addi %rem3A_1001, %select_n3A_1000 : i32
        %select_n3A_1011 = arith.select %and3A_1009, %add3A_1010, %rem3A_1001 : i32
        %dma_wait3A_1012 = arith.constant 0 : i32
        %dma_wait3A_1013 = tpu.memref_slice %arg5[%select_n3A_927, %select_n3A_995, %multiple_of3A_971, %select_n3A_1011, %dma_wait3A_1012] : memref<20x8x128x8x128xf32, #tpu.memory_space<hbm>> -> memref<1x1x32x1x128xf32, #tpu.memory_space<hbm>>
        %dma_wait3A_1014 = tpu.memref_squeeze %dma_wait3A_1013 : memref<1x1x32x1x128xf32, #tpu.memory_space<hbm>> -> memref<32x128xf32, #tpu.memory_space<hbm>>
        %dma_wait3A_1015 = arith.constant 0 : i32
        %dma_wait3A_1016 = tpu.memref_slice %arg5[%select_n3A_927, %select_n3A_995, %multiple_of3A_971, %select_n3A_1011, %dma_wait3A_1015] : memref<20x8x128x8x128xf32, #tpu.memory_space<hbm>> -> memref<1x1x32x1x128xf32, #tpu.memory_space<hbm>>
        %dma_wait3A_1017 = tpu.memref_squeeze %dma_wait3A_1016 : memref<1x1x32x1x128xf32, #tpu.memory_space<hbm>> -> memref<32x128xf32, #tpu.memory_space<hbm>>
        tpu.wait_dma2 semaphore(%arg15 : memref<!tpu.dma_semaphore, #tpu.memory_space<semaphore_mem>>) src(%arg9 : memref<32x128xf32, #tpu.memory_space<vmem>>) dst(%dma_wait3A_1017 : memref<32x128xf32, #tpu.memory_space<hbm>>)
      } else {
      }
      %parallel_loop3A = arith.constant 0 : i32
      %parallel_loop3A_380 = arith.constant 256 : i32
      %parallel_loop3A_381 = arith.constant 1 : i32
      scf.for %parallel_loop3A_861 = %parallel_loop3A to %parallel_loop3A_380 step %parallel_loop3A_381  : i32 {
        %parallel_loop3A_862 = arith.constant 16 : i32
        %parallel_loop3A_863 = arith.muli %parallel_loop3A_861, %parallel_loop3A_862 : i32
        %parallel_loop3A_864 = tpu.assume_multiple %parallel_loop3A_863, 16 : i32
        %parallel_loop3A_865 = arith.constant 32 : i32
        %parallel_loop3A_866 = arith.divsi %parallel_loop3A_861, %parallel_loop3A_865 : i32
        %parallel_loop3A_867 = arith.constant 0 : i32
        %parallel_loop3A_868 = arith.cmpi sgt, %parallel_loop3A_861, %parallel_loop3A_867 : i32
        %parallel_loop3A_869 = arith.extui %parallel_loop3A_868 : i1 to i32
        %parallel_loop3A_870 = arith.constant 0 : i32
        %parallel_loop3A_871 = arith.cmpi slt, %parallel_loop3A_861, %parallel_loop3A_870 : i32
        %parallel_loop3A_872 = arith.extui %parallel_loop3A_871 : i1 to i32
        %parallel_loop3A_873 = arith.subi %parallel_loop3A_869, %parallel_loop3A_872 : i32
        %parallel_loop3A_874 = arith.constant 0 : i32
        %parallel_loop3A_875 = arith.cmpi sgt, %parallel_loop3A_865, %parallel_loop3A_874 : i32
        %parallel_loop3A_876 = arith.extui %parallel_loop3A_875 : i1 to i32
        %parallel_loop3A_877 = arith.constant 0 : i32
        %parallel_loop3A_878 = arith.cmpi slt, %parallel_loop3A_865, %parallel_loop3A_877 : i32
        %parallel_loop3A_879 = arith.extui %parallel_loop3A_878 : i1 to i32
        %parallel_loop3A_880 = arith.subi %parallel_loop3A_876, %parallel_loop3A_879 : i32
        %parallel_loop3A_881 = arith.cmpi ne, %parallel_loop3A_873, %parallel_loop3A_880 : i32
        %parallel_loop3A_882 = arith.remsi %parallel_loop3A_861, %parallel_loop3A_865 : i32
        %parallel_loop3A_883 = arith.constant 0 : i32
        %parallel_loop3A_884 = arith.cmpi ne, %parallel_loop3A_882, %parallel_loop3A_883 : i32
        %parallel_loop3A_885 = arith.andi %parallel_loop3A_881, %parallel_loop3A_884 : i1
        %parallel_loop3A_886 = arith.constant 1 : i32
        %parallel_loop3A_887 = arith.subi %parallel_loop3A_866, %parallel_loop3A_886 : i32
        %parallel_loop3A_888 = arith.select %parallel_loop3A_885, %parallel_loop3A_887, %parallel_loop3A_866 : i32
        %parallel_loop3A_889 = arith.constant 16 : i32
        %parallel_loop3A_890 = arith.muli %parallel_loop3A_888, %parallel_loop3A_889 : i32
        %parallel_loop3A_891 = tpu.assume_multiple %parallel_loop3A_890, 16 : i32
        %parallel_loop3A_892 = arith.index_cast %parallel_loop3A_891 : i32 to index
        %parallel_loop3A_893 = tpu.vector_load %arg11[%parallel_loop3A_892] {strides = array<i32>} : memref<128xi32, #tpu.memory_space<vmem>>, vector<16xi32>,
        %parallel_loop3A_894 = arith.constant 32 : i32
        %parallel_loop3A_895 = arith.constant 0 : i32
        %parallel_loop3A_896 = arith.cmpi eq, %parallel_loop3A_894, %parallel_loop3A_895 : i32
        %parallel_loop3A_897 = arith.constant 1 : i32
        %parallel_loop3A_898 = arith.select %parallel_loop3A_896, %parallel_loop3A_897, %parallel_loop3A_894 : i32
        %parallel_loop3A_899 = arith.remsi %parallel_loop3A_861, %parallel_loop3A_898 : i32
        %parallel_loop3A_900 = arith.constant 0 : i32
        %parallel_loop3A_901 = arith.cmpi ne, %parallel_loop3A_899, %parallel_loop3A_900 : i32
        %parallel_loop3A_902 = arith.constant 0 : i32
        %parallel_loop3A_903 = arith.cmpi slt, %parallel_loop3A_899, %parallel_loop3A_902 : i32
        %parallel_loop3A_904 = arith.constant 0 : i32
        %parallel_loop3A_905 = arith.cmpi slt, %parallel_loop3A_898, %parallel_loop3A_904 : i32
        %parallel_loop3A_906 = arith.xori %parallel_loop3A_903, %parallel_loop3A_905 : i1
        %parallel_loop3A_907 = arith.andi %parallel_loop3A_906, %parallel_loop3A_901 : i1
        %parallel_loop3A_908 = arith.addi %parallel_loop3A_899, %parallel_loop3A_898 : i32
        %parallel_loop3A_909 = arith.select %parallel_loop3A_907, %parallel_loop3A_908, %parallel_loop3A_899 : i32
        %parallel_loop3A_910 = arith.index_cast %parallel_loop3A_864 : i32 to index
        %parallel_loop3A_911 = tpu.vector_load %arg7[%parallel_loop3A_910] {strides = array<i32>} : memref<4096xi32, #tpu.memory_space<vmem>>, vector<16xi32>,
        %parallel_loop3A_912 = tpu.vector_load_idx %arg6[%parallel_loop3A_911] : memref<100000xf32, #tpu.memory_space<vmem>>[vector<16xi32>], vector<16xf32>,
        %parallel_loop3A_913 = vector.broadcast %parallel_loop3A_909 : i32 to vector<16xi32>
        %parallel_loop3A_914 = arith.shrui %parallel_loop3A_893, %parallel_loop3A_913 : vector<16xi32>
        %parallel_loop3A_915 = arith.constant 1 : i32
        %parallel_loop3A_916 = vector.broadcast %parallel_loop3A_915 : i32 to vector<16xi32>
        %parallel_loop3A_917 = arith.andi %parallel_loop3A_914, %parallel_loop3A_916 : vector<16xi32>
        %parallel_loop3A_918 = arith.constant 8 : i32
        %parallel_loop3A_919 = arith.divsi %parallel_loop3A_861, %parallel_loop3A_918 : i32
        %parallel_loop3A_920 = arith.constant 0 : i32
        %parallel_loop3A_921 = arith.cmpi sgt, %parallel_loop3A_861, %parallel_loop3A_920 : i32
        %parallel_loop3A_922 = arith.extui %parallel_loop3A_921 : i1 to i32
        %parallel_loop3A_923 = arith.constant 0 : i32
        %parallel_loop3A_924 = arith.cmpi slt, %parallel_loop3A_861, %parallel_loop3A_923 : i32
        %parallel_loop3A_925 = arith.extui %parallel_loop3A_924 : i1 to i32
        %parallel_loop3A_926 = arith.subi %parallel_loop3A_922, %parallel_loop3A_925 : i32
        %parallel_loop3A_927 = arith.constant 0 : i32
        %parallel_loop3A_928 = arith.cmpi sgt, %parallel_loop3A_918, %parallel_loop3A_927 : i32
        %parallel_loop3A_929 = arith.extui %parallel_loop3A_928 : i1 to i32
        %parallel_loop3A_930 = arith.constant 0 : i32
        %parallel_loop3A_931 = arith.cmpi slt, %parallel_loop3A_918, %parallel_loop3A_930 : i32
        %parallel_loop3A_932 = arith.extui %parallel_loop3A_931 : i1 to i32
        %parallel_loop3A_933 = arith.subi %parallel_loop3A_929, %parallel_loop3A_932 : i32
        %parallel_loop3A_934 = arith.cmpi ne, %parallel_loop3A_926, %parallel_loop3A_933 : i32
        %parallel_loop3A_935 = arith.remsi %parallel_loop3A_861, %parallel_loop3A_918 : i32
        %parallel_loop3A_936 = arith.constant 0 : i32
        %parallel_loop3A_937 = arith.cmpi ne, %parallel_loop3A_935, %parallel_loop3A_936 : i32
        %parallel_loop3A_938 = arith.andi %parallel_loop3A_934, %parallel_loop3A_937 : i1
        %parallel_loop3A_939 = arith.constant 1 : i32
        %parallel_loop3A_940 = arith.subi %parallel_loop3A_919, %parallel_loop3A_939 : i32
        %parallel_loop3A_941 = arith.select %parallel_loop3A_938, %parallel_loop3A_940, %parallel_loop3A_919 : i32
        %parallel_loop3A_942 = arith.constant 8 : i32
        %parallel_loop3A_943 = arith.constant 0 : i32
        %parallel_loop3A_944 = arith.cmpi eq, %parallel_loop3A_942, %parallel_loop3A_943 : i32
        %parallel_loop3A_945 = arith.constant 1 : i32
        %parallel_loop3A_946 = arith.select %parallel_loop3A_944, %parallel_loop3A_945, %parallel_loop3A_942 : i32
        %parallel_loop3A_947 = arith.remsi %parallel_loop3A_861, %parallel_loop3A_946 : i32
        %parallel_loop3A_948 = arith.constant 0 : i32
        %parallel_loop3A_949 = arith.cmpi ne, %parallel_loop3A_947, %parallel_loop3A_948 : i32
        %parallel_loop3A_950 = arith.constant 0 : i32
        %parallel_loop3A_951 = arith.cmpi slt, %parallel_loop3A_947, %parallel_loop3A_950 : i32
        %parallel_loop3A_952 = arith.constant 0 : i32
        %parallel_loop3A_953 = arith.cmpi slt, %parallel_loop3A_946, %parallel_loop3A_952 : i32
        %parallel_loop3A_954 = arith.xori %parallel_loop3A_951, %parallel_loop3A_953 : i1
        %parallel_loop3A_955 = arith.andi %parallel_loop3A_954, %parallel_loop3A_949 : i1
        %parallel_loop3A_956 = arith.addi %parallel_loop3A_947, %parallel_loop3A_946 : i32
        %parallel_loop3A_957 = arith.select %parallel_loop3A_955, %parallel_loop3A_956, %parallel_loop3A_947 : i32
        %parallel_loop3A_958 = arith.constant 16 : i32
        %parallel_loop3A_959 = arith.muli %parallel_loop3A_957, %parallel_loop3A_958 : i32
        %parallel_loop3A_960 = tpu.assume_multiple %parallel_loop3A_959, 16 : i32
        %parallel_loop3A_961 = arith.uitofp %parallel_loop3A_917 : vector<16xi32> to vector<16xf32>
        %parallel_loop3A_962 = arith.constant 1.11111116 : f32
        %parallel_loop3A_963 = vector.broadcast %parallel_loop3A_962 : f32 to vector<16xf32>
        %parallel_loop3A_964 = arith.mulf %parallel_loop3A_961, %parallel_loop3A_963 : vector<16xf32>
        %parallel_loop3A_965 = arith.mulf %parallel_loop3A_912, %parallel_loop3A_964 : vector<16xf32>
        %parallel_loop3A_966 = arith.index_cast %parallel_loop3A_941 : i32 to index
        %parallel_loop3A_967 = arith.index_cast %parallel_loop3A_960 : i32 to index
        %parallel_loop3A_968 = tpu.vector_load %arg9[%parallel_loop3A_966, %parallel_loop3A_967] {strides = array<i32>} : memref<32x128xf32, #tpu.memory_space<vmem>>, vector<16xf32>,
        tpu.vector_store %arg9[%parallel_loop3A_966, %parallel_loop3A_967], %parallel_loop3A_965 {strides = array<i32>} : memref<32x128xf32, #tpu.memory_space<vmem>>, vector<16xf32>,
      } {sc.loop_unroll_factor = 16 : i64, sc.parallel_access}
      %jit3A_382 = arith.constant 80 : i32
      %div3A_383 = arith.divsi %add3A_235, %jit3A_382 : i32
      %sign3A_384 = arith.constant 0 : i32
      %sign3A_385 = arith.cmpi sgt, %add3A_235, %sign3A_384 : i32
      %sign3A_386 = arith.extui %sign3A_385 : i1 to i32
      %sign3A_387 = arith.constant 0 : i32
      %sign3A_388 = arith.cmpi slt, %add3A_235, %sign3A_387 : i32
      %sign3A_389 = arith.extui %sign3A_388 : i1 to i32
      %sign3A_390 = arith.subi %sign3A_386, %sign3A_389 : i32
      %sign3A_391 = arith.constant 0 : i32
      %sign3A_392 = arith.cmpi sgt, %jit3A_382, %sign3A_391 : i32
      %sign3A_393 = arith.extui %sign3A_392 : i1 to i32
      %sign3A_394 = arith.constant 0 : i32
      %sign3A_395 = arith.cmpi slt, %jit3A_382, %sign3A_394 : i32
      %sign3A_396 = arith.extui %sign3A_395 : i1 to i32
      %sign3A_397 = arith.subi %sign3A_393, %sign3A_396 : i32
      %ne3A_398 = arith.cmpi ne, %sign3A_390, %sign3A_397 : i32
      %rem3A_399 = arith.remsi %add3A_235, %jit3A_382 : i32
      %ne3A_400 = arith.constant 0 : i32
      %ne3A_401 = arith.cmpi ne, %rem3A_399, %ne3A_400 : i32
      %and3A_402 = arith.andi %ne3A_398, %ne3A_401 : i1
      %sub3A_403 = arith.constant 1 : i32
      %sub3A_404 = arith.subi %div3A_383, %sub3A_403 : i32
      %select_n3A_405 = arith.select %and3A_402, %sub3A_404, %div3A_383 : i32
      %add3A_406 = arith.addi %mul3A_2, %select_n3A_405 : i32
      %jit3A_407 = arith.constant 80 : i32
      %eq3A_408 = arith.constant 0 : i32
      %eq3A_409 = arith.cmpi eq, %jit3A_407, %eq3A_408 : i32
      %jit3A_410 = arith.constant 1 : i32
      %select_n3A_411 = arith.select %eq3A_409, %jit3A_410, %jit3A_407 : i32
      %rem3A_412 = arith.remsi %add3A_235, %select_n3A_411 : i32
      %ne3A_413 = arith.constant 0 : i32
      %ne3A_414 = arith.cmpi ne, %rem3A_412, %ne3A_413 : i32
      %lt3A_415 = arith.constant 0 : i32
      %lt3A_416 = arith.cmpi slt, %rem3A_412, %lt3A_415 : i32
      %lt3A_417 = arith.constant 0 : i32
      %lt3A_418 = arith.cmpi slt, %select_n3A_411, %lt3A_417 : i32
      %ne3A_419 = arith.xori %lt3A_416, %lt3A_418 : i1
      %and3A_420 = arith.andi %ne3A_419, %ne3A_414 : i1
      %add3A_421 = arith.addi %rem3A_412, %select_n3A_411 : i32
      %select_n3A_422 = arith.select %and3A_420, %add3A_421, %rem3A_412 : i32
      %jit3A_423 = arith.constant 4 : i32
      %div3A_424 = arith.divsi %select_n3A_422, %jit3A_423 : i32
      %sign3A_425 = arith.constant 0 : i32
      %sign3A_426 = arith.cmpi sgt, %select_n3A_422, %sign3A_425 : i32
      %sign3A_427 = arith.extui %sign3A_426 : i1 to i32
      %sign3A_428 = arith.constant 0 : i32
      %sign3A_429 = arith.cmpi slt, %select_n3A_422, %sign3A_428 : i32
      %sign3A_430 = arith.extui %sign3A_429 : i1 to i32
      %sign3A_431 = arith.subi %sign3A_427, %sign3A_430 : i32
      %sign3A_432 = arith.constant 0 : i32
      %sign3A_433 = arith.cmpi sgt, %jit3A_423, %sign3A_432 : i32
      %sign3A_434 = arith.extui %sign3A_433 : i1 to i32
      %sign3A_435 = arith.constant 0 : i32
      %sign3A_436 = arith.cmpi slt, %jit3A_423, %sign3A_435 : i32
      %sign3A_437 = arith.extui %sign3A_436 : i1 to i32
      %sign3A_438 = arith.subi %sign3A_434, %sign3A_437 : i32
      %ne3A_439 = arith.cmpi ne, %sign3A_431, %sign3A_438 : i32
      %rem3A_440 = arith.remsi %select_n3A_422, %jit3A_423 : i32
      %ne3A_441 = arith.constant 0 : i32
      %ne3A_442 = arith.cmpi ne, %rem3A_440, %ne3A_441 : i32
      %and3A_443 = arith.andi %ne3A_439, %ne3A_442 : i1
      %sub3A_444 = arith.constant 1 : i32
      %sub3A_445 = arith.subi %div3A_424, %sub3A_444 : i32
      %select_n3A_446 = arith.select %and3A_443, %sub3A_445, %div3A_424 : i32
      %jit3A_447 = arith.constant 4 : i32
      %eq3A_448 = arith.constant 0 : i32
      %eq3A_449 = arith.cmpi eq, %jit3A_447, %eq3A_448 : i32
      %jit3A_450 = arith.constant 1 : i32
      %select_n3A_451 = arith.select %eq3A_449, %jit3A_450, %jit3A_447 : i32
      %rem3A_452 = arith.remsi %select_n3A_422, %select_n3A_451 : i32
      %ne3A_453 = arith.constant 0 : i32
      %ne3A_454 = arith.cmpi ne, %rem3A_452, %ne3A_453 : i32
      %lt3A_455 = arith.constant 0 : i32
      %lt3A_456 = arith.cmpi slt, %rem3A_452, %lt3A_455 : i32
      %lt3A_457 = arith.constant 0 : i32
      %lt3A_458 = arith.cmpi slt, %select_n3A_451, %lt3A_457 : i32
      %ne3A_459 = arith.xori %lt3A_456, %lt3A_458 : i1
      %and3A_460 = arith.andi %ne3A_459, %ne3A_454 : i1
      %add3A_461 = arith.addi %rem3A_452, %select_n3A_451 : i32
      %select_n3A_462 = arith.select %and3A_460, %add3A_461, %rem3A_452 : i32
      %mul3A_463 = arith.constant 4096 : i32
      %mul3A_464 = arith.muli %select_n3A_462, %mul3A_463 : i32
      %multiple_of3A_465 = tpu.assume_multiple %mul3A_464, 4096 : i32
      %jit3A_466 = arith.constant 128 : i32
      %div3A_467 = arith.divsi %multiple_of3A_465, %jit3A_466 : i32
      %sign3A_468 = arith.constant 0 : i32
      %sign3A_469 = arith.cmpi sgt, %multiple_of3A_465, %sign3A_468 : i32
      %sign3A_470 = arith.extui %sign3A_469 : i1 to i32
      %sign3A_471 = arith.constant 0 : i32
      %sign3A_472 = arith.cmpi slt, %multiple_of3A_465, %sign3A_471 : i32
      %sign3A_473 = arith.extui %sign3A_472 : i1 to i32
      %sign3A_474 = arith.subi %sign3A_470, %sign3A_473 : i32
      %sign3A_475 = arith.constant 0 : i32
      %sign3A_476 = arith.cmpi sgt, %jit3A_466, %sign3A_475 : i32
      %sign3A_477 = arith.extui %sign3A_476 : i1 to i32
      %sign3A_478 = arith.constant 0 : i32
      %sign3A_479 = arith.cmpi slt, %jit3A_466, %sign3A_478 : i32
      %sign3A_480 = arith.extui %sign3A_479 : i1 to i32
      %sign3A_481 = arith.subi %sign3A_477, %sign3A_480 : i32
      %ne3A_482 = arith.cmpi ne, %sign3A_474, %sign3A_481 : i32
      %rem3A_483 = arith.remsi %multiple_of3A_465, %jit3A_466 : i32
      %ne3A_484 = arith.constant 0 : i32
      %ne3A_485 = arith.cmpi ne, %rem3A_483, %ne3A_484 : i32
      %and3A_486 = arith.andi %ne3A_482, %ne3A_485 : i1
      %sub3A_487 = arith.constant 1 : i32
      %sub3A_488 = arith.subi %div3A_467, %sub3A_487 : i32
      %select_n3A_489 = arith.select %and3A_486, %sub3A_488, %div3A_467 : i32
      %multiple_of3A_490 = tpu.assume_multiple %select_n3A_489, 32 : i32
      %jit3A_491 = arith.constant 8 : i32
      %div3A_492 = arith.divsi %add3A_406, %jit3A_491 : i32
      %sign3A_493 = arith.constant 0 : i32
      %sign3A_494 = arith.cmpi sgt, %add3A_406, %sign3A_493 : i32
      %sign3A_495 = arith.extui %sign3A_494 : i1 to i32
      %sign3A_496 = arith.constant 0 : i32
      %sign3A_497 = arith.cmpi slt, %add3A_406, %sign3A_496 : i32
      %sign3A_498 = arith.extui %sign3A_497 : i1 to i32
      %sign3A_499 = arith.subi %sign3A_495, %sign3A_498 : i32
      %sign3A_500 = arith.constant 0 : i32
      %sign3A_501 = arith.cmpi sgt, %jit3A_491, %sign3A_500 : i32
      %sign3A_502 = arith.extui %sign3A_501 : i1 to i32
      %sign3A_503 = arith.constant 0 : i32
      %sign3A_504 = arith.cmpi slt, %jit3A_491, %sign3A_503 : i32
      %sign3A_505 = arith.extui %sign3A_504 : i1 to i32
      %sign3A_506 = arith.subi %sign3A_502, %sign3A_505 : i32
      %ne3A_507 = arith.cmpi ne, %sign3A_499, %sign3A_506 : i32
      %rem3A_508 = arith.remsi %add3A_406, %jit3A_491 : i32
      %ne3A_509 = arith.constant 0 : i32
      %ne3A_510 = arith.cmpi ne, %rem3A_508, %ne3A_509 : i32
      %and3A_511 = arith.andi %ne3A_507, %ne3A_510 : i1
      %sub3A_512 = arith.constant 1 : i32
      %sub3A_513 = arith.subi %div3A_492, %sub3A_512 : i32
      %select_n3A_514 = arith.select %and3A_511, %sub3A_513, %div3A_492 : i32
      %jit3A_515 = arith.constant 8 : i32
      %eq3A_516 = arith.constant 0 : i32
      %eq3A_517 = arith.cmpi eq, %jit3A_515, %eq3A_516 : i32
      %jit3A_518 = arith.constant 1 : i32
      %select_n3A_519 = arith.select %eq3A_517, %jit3A_518, %jit3A_515 : i32
      %rem3A_520 = arith.remsi %add3A_406, %select_n3A_519 : i32
      %ne3A_521 = arith.constant 0 : i32
      %ne3A_522 = arith.cmpi ne, %rem3A_520, %ne3A_521 : i32
      %lt3A_523 = arith.constant 0 : i32
      %lt3A_524 = arith.cmpi slt, %rem3A_520, %lt3A_523 : i32
      %lt3A_525 = arith.constant 0 : i32
      %lt3A_526 = arith.cmpi slt, %select_n3A_519, %lt3A_525 : i32
      %ne3A_527 = arith.xori %lt3A_524, %lt3A_526 : i1
      %and3A_528 = arith.andi %ne3A_527, %ne3A_522 : i1
      %add3A_529 = arith.addi %rem3A_520, %select_n3A_519 : i32
      %select_n3A_530 = arith.select %and3A_528, %add3A_529, %rem3A_520 : i32
      %dma_start3A_531 = arith.constant 0 : i32
      %dma_start3A_532 = tpu.memref_slice %arg5[%select_n3A_446, %select_n3A_514, %multiple_of3A_490, %select_n3A_530, %dma_start3A_531] : memref<20x8x128x8x128xf32, #tpu.memory_space<hbm>> -> memref<1x1x32x1x128xf32, #tpu.memory_space<hbm>>
      %dma_start3A_533 = tpu.memref_squeeze %dma_start3A_532 : memref<1x1x32x1x128xf32, #tpu.memory_space<hbm>> -> memref<32x128xf32, #tpu.memory_space<hbm>>
      %dma_start3A_534 = arith.constant 0 : i32
      %dma_start3A_535 = tpu.memref_slice %arg5[%select_n3A_446, %select_n3A_514, %multiple_of3A_490, %select_n3A_530, %dma_start3A_534] : memref<20x8x128x8x128xf32, #tpu.memory_space<hbm>> -> memref<1x1x32x1x128xf32, #tpu.memory_space<hbm>>
      %dma_start3A_536 = tpu.memref_squeeze %dma_start3A_535 : memref<1x1x32x1x128xf32, #tpu.memory_space<hbm>> -> memref<32x128xf32, #tpu.memory_space<hbm>>
      tpu.enqueue_dma source(%arg9 : memref<32x128xf32, #tpu.memory_space<vmem>>) target(%dma_start3A_536 : memref<32x128xf32, #tpu.memory_space<hbm>>) target_semaphore(%arg15 : memref<!tpu.dma_semaphore, #tpu.memory_space<semaphore_mem>>)
      %add3A_537 = arith.constant 2 : i32
      %add3A_538 = arith.addi %add3A_235, %add3A_537 : i32
      %lt3A_539 = arith.constant 160 : i32
      %lt3A_540 = arith.cmpi slt, %add3A_538, %lt3A_539 : i32
      %convert_element_type3A_541 = arith.extui %lt3A_540 : i1 to i32
      %cond3A_542 = arith.constant 0 : i32
      %cond3A_543 = arith.cmpi ne, %convert_element_type3A_541, %cond3A_542 : i32
      scf.if %cond3A_543 {
        %add3A_861 = arith.constant 2 : i32
        %add3A_862 = arith.addi %add3A_235, %add3A_861 : i32
        %jit3A_863 = arith.constant 80 : i32
        %div3A_864 = arith.divsi %add3A_862, %jit3A_863 : i32
        %sign3A_865 = arith.constant 0 : i32
        %sign3A_866 = arith.cmpi sgt, %add3A_862, %sign3A_865 : i32
        %sign3A_867 = arith.extui %sign3A_866 : i1 to i32
        %sign3A_868 = arith.constant 0 : i32
        %sign3A_869 = arith.cmpi slt, %add3A_862, %sign3A_868 : i32
        %sign3A_870 = arith.extui %sign3A_869 : i1 to i32
        %sign3A_871 = arith.subi %sign3A_867, %sign3A_870 : i32
        %sign3A_872 = arith.constant 0 : i32
        %sign3A_873 = arith.cmpi sgt, %jit3A_863, %sign3A_872 : i32
        %sign3A_874 = arith.extui %sign3A_873 : i1 to i32
        %sign3A_875 = arith.constant 0 : i32
        %sign3A_876 = arith.cmpi slt, %jit3A_863, %sign3A_875 : i32
        %sign3A_877 = arith.extui %sign3A_876 : i1 to i32
        %sign3A_878 = arith.subi %sign3A_874, %sign3A_877 : i32
        %ne3A_879 = arith.cmpi ne, %sign3A_871, %sign3A_878 : i32
        %rem3A_880 = arith.remsi %add3A_862, %jit3A_863 : i32
        %ne3A_881 = arith.constant 0 : i32
        %ne3A_882 = arith.cmpi ne, %rem3A_880, %ne3A_881 : i32
        %and3A_883 = arith.andi %ne3A_879, %ne3A_882 : i1
        %sub3A_884 = arith.constant 1 : i32
        %sub3A_885 = arith.subi %div3A_864, %sub3A_884 : i32
        %select_n3A_886 = arith.select %and3A_883, %sub3A_885, %div3A_864 : i32
        %add3A_887 = arith.addi %mul3A_2, %select_n3A_886 : i32
        %jit3A_888 = arith.constant 80 : i32
        %eq3A_889 = arith.constant 0 : i32
        %eq3A_890 = arith.cmpi eq, %jit3A_888, %eq3A_889 : i32
        %jit3A_891 = arith.constant 1 : i32
        %select_n3A_892 = arith.select %eq3A_890, %jit3A_891, %jit3A_888 : i32
        %rem3A_893 = arith.remsi %add3A_862, %select_n3A_892 : i32
        %ne3A_894 = arith.constant 0 : i32
        %ne3A_895 = arith.cmpi ne, %rem3A_893, %ne3A_894 : i32
        %lt3A_896 = arith.constant 0 : i32
        %lt3A_897 = arith.cmpi slt, %rem3A_893, %lt3A_896 : i32
        %lt3A_898 = arith.constant 0 : i32
        %lt3A_899 = arith.cmpi slt, %select_n3A_892, %lt3A_898 : i32
        %ne3A_900 = arith.xori %lt3A_897, %lt3A_899 : i1
        %and3A_901 = arith.andi %ne3A_900, %ne3A_895 : i1
        %add3A_902 = arith.addi %rem3A_893, %select_n3A_892 : i32
        %select_n3A_903 = arith.select %and3A_901, %add3A_902, %rem3A_893 : i32
        %jit3A_904 = arith.constant 4 : i32
        %div3A_905 = arith.divsi %select_n3A_903, %jit3A_904 : i32
        %sign3A_906 = arith.constant 0 : i32
        %sign3A_907 = arith.cmpi sgt, %select_n3A_903, %sign3A_906 : i32
        %sign3A_908 = arith.extui %sign3A_907 : i1 to i32
        %sign3A_909 = arith.constant 0 : i32
        %sign3A_910 = arith.cmpi slt, %select_n3A_903, %sign3A_909 : i32
        %sign3A_911 = arith.extui %sign3A_910 : i1 to i32
        %sign3A_912 = arith.subi %sign3A_908, %sign3A_911 : i32
        %sign3A_913 = arith.constant 0 : i32
        %sign3A_914 = arith.cmpi sgt, %jit3A_904, %sign3A_913 : i32
        %sign3A_915 = arith.extui %sign3A_914 : i1 to i32
        %sign3A_916 = arith.constant 0 : i32
        %sign3A_917 = arith.cmpi slt, %jit3A_904, %sign3A_916 : i32
        %sign3A_918 = arith.extui %sign3A_917 : i1 to i32
        %sign3A_919 = arith.subi %sign3A_915, %sign3A_918 : i32
        %ne3A_920 = arith.cmpi ne, %sign3A_912, %sign3A_919 : i32
        %rem3A_921 = arith.remsi %select_n3A_903, %jit3A_904 : i32
        %ne3A_922 = arith.constant 0 : i32
        %ne3A_923 = arith.cmpi ne, %rem3A_921, %ne3A_922 : i32
        %and3A_924 = arith.andi %ne3A_920, %ne3A_923 : i1
        %sub3A_925 = arith.constant 1 : i32
        %sub3A_926 = arith.subi %div3A_905, %sub3A_925 : i32
        %select_n3A_927 = arith.select %and3A_924, %sub3A_926, %div3A_905 : i32
        %jit3A_928 = arith.constant 4 : i32
        %eq3A_929 = arith.constant 0 : i32
        %eq3A_930 = arith.cmpi eq, %jit3A_928, %eq3A_929 : i32
        %jit3A_931 = arith.constant 1 : i32
        %select_n3A_932 = arith.select %eq3A_930, %jit3A_931, %jit3A_928 : i32
        %rem3A_933 = arith.remsi %select_n3A_903, %select_n3A_932 : i32
        %ne3A_934 = arith.constant 0 : i32
        %ne3A_935 = arith.cmpi ne, %rem3A_933, %ne3A_934 : i32
        %lt3A_936 = arith.constant 0 : i32
        %lt3A_937 = arith.cmpi slt, %rem3A_933, %lt3A_936 : i32
        %lt3A_938 = arith.constant 0 : i32
        %lt3A_939 = arith.cmpi slt, %select_n3A_932, %lt3A_938 : i32
        %ne3A_940 = arith.xori %lt3A_937, %lt3A_939 : i1
        %and3A_941 = arith.andi %ne3A_940, %ne3A_935 : i1
        %add3A_942 = arith.addi %rem3A_933, %select_n3A_932 : i32
        %select_n3A_943 = arith.select %and3A_941, %add3A_942, %rem3A_933 : i32
        %mul3A_944 = arith.constant 4096 : i32
        %mul3A_945 = arith.muli %select_n3A_943, %mul3A_944 : i32
        %multiple_of3A_946 = tpu.assume_multiple %mul3A_945, 4096 : i32
        %dma_start3A_947 = tpu.memref_slice %arg2[%select_n3A_927, %multiple_of3A_946] : memref<20x16384xi32, #tpu.memory_space<hbm>> -> memref<1x4096xi32, #tpu.memory_space<hbm>>
        %dma_start3A_948 = tpu.memref_squeeze %dma_start3A_947 : memref<1x4096xi32, #tpu.memory_space<hbm>> -> memref<4096xi32, #tpu.memory_space<hbm>>
        %dma_start3A_949 = tpu.memref_slice %arg2[%select_n3A_927, %multiple_of3A_946] : memref<20x16384xi32, #tpu.memory_space<hbm>> -> memref<1x4096xi32, #tpu.memory_space<hbm>>
        %dma_start3A_950 = tpu.memref_squeeze %dma_start3A_949 : memref<1x4096xi32, #tpu.memory_space<hbm>> -> memref<4096xi32, #tpu.memory_space<hbm>>
        tpu.enqueue_dma source(%dma_start3A_950 : memref<4096xi32, #tpu.memory_space<hbm>>) target(%arg7 : memref<4096xi32, #tpu.memory_space<vmem>>) target_semaphore(%arg13 : memref<!tpu.dma_semaphore, #tpu.memory_space<semaphore_mem>>)
        %mul3A_951 = arith.constant 64 : i32
        %mul3A_952 = arith.muli %select_n3A_927, %mul3A_951 : i32
        %add3A_953 = arith.addi %mul3A_952, %add3A_887 : i32
        %mul3A_954 = arith.constant 16384 : i32
        %mul3A_955 = arith.muli %add3A_953, %mul3A_954 : i32
        %add3A_956 = arith.addi %mul3A_955, %multiple_of3A_946 : i32
        %jit3A_957 = arith.constant 32 : i32
        %div3A_958 = arith.divsi %add3A_956, %jit3A_957 : i32
        %sign3A_959 = arith.constant 0 : i32
        %sign3A_960 = arith.cmpi sgt, %add3A_956, %sign3A_959 : i32
        %sign3A_961 = arith.extui %sign3A_960 : i1 to i32
        %sign3A_962 = arith.constant 0 : i32
        %sign3A_963 = arith.cmpi slt, %add3A_956, %sign3A_962 : i32
        %sign3A_964 = arith.extui %sign3A_963 : i1 to i32
        %sign3A_965 = arith.subi %sign3A_961, %sign3A_964 : i32
        %sign3A_966 = arith.constant 0 : i32
        %sign3A_967 = arith.cmpi sgt, %jit3A_957, %sign3A_966 : i32
        %sign3A_968 = arith.extui %sign3A_967 : i1 to i32
        %sign3A_969 = arith.constant 0 : i32
        %sign3A_970 = arith.cmpi slt, %jit3A_957, %sign3A_969 : i32
        %sign3A_971 = arith.extui %sign3A_970 : i1 to i32
        %sign3A_972 = arith.subi %sign3A_968, %sign3A_971 : i32
        %ne3A_973 = arith.cmpi ne, %sign3A_965, %sign3A_972 : i32
        %rem3A_974 = arith.remsi %add3A_956, %jit3A_957 : i32
        %ne3A_975 = arith.constant 0 : i32
        %ne3A_976 = arith.cmpi ne, %rem3A_974, %ne3A_975 : i32
        %and3A_977 = arith.andi %ne3A_973, %ne3A_976 : i1
        %sub3A_978 = arith.constant 1 : i32
        %sub3A_979 = arith.subi %div3A_958, %sub3A_978 : i32
        %select_n3A_980 = arith.select %and3A_977, %sub3A_979, %div3A_958 : i32
        %multiple_of3A_981 = tpu.assume_multiple %select_n3A_980, 128 : i32
        %dma_start3A_982 = tpu.memref_slice %arg4[%multiple_of3A_981] : memref<655360xi32, #tpu.memory_space<hbm>> -> memref<128xi32, #tpu.memory_space<hbm>>
        %dma_start3A_983 = tpu.memref_slice %arg4[%multiple_of3A_981] : memref<655360xi32, #tpu.memory_space<hbm>> -> memref<128xi32, #tpu.memory_space<hbm>>
        tpu.enqueue_dma source(%dma_start3A_983 : memref<128xi32, #tpu.memory_space<hbm>>) target(%arg11 : memref<128xi32, #tpu.memory_space<vmem>>) target_semaphore(%arg17 : memref<!tpu.dma_semaphore, #tpu.memory_space<semaphore_mem>>)
      } else {
      }
      %mul3A_544 = arith.constant 2 : i32
      %mul3A_545 = arith.muli %scan3A_230, %mul3A_544 : i32
      %add3A_546 = arith.constant 1 : i32
      %add3A_547 = arith.addi %mul3A_545, %add3A_546 : i32
      %jit3A_548 = arith.constant 80 : i32
      %eq3A_549 = arith.constant 0 : i32
      %eq3A_550 = arith.cmpi eq, %jit3A_548, %eq3A_549 : i32
      %jit3A_551 = arith.constant 1 : i32
      %select_n3A_552 = arith.select %eq3A_550, %jit3A_551, %jit3A_548 : i32
      %rem3A_553 = arith.remsi %add3A_547, %select_n3A_552 : i32
      %ne3A_554 = arith.constant 0 : i32
      %ne3A_555 = arith.cmpi ne, %rem3A_553, %ne3A_554 : i32
      %lt3A_556 = arith.constant 0 : i32
      %lt3A_557 = arith.cmpi slt, %rem3A_553, %lt3A_556 : i32
      %lt3A_558 = arith.constant 0 : i32
      %lt3A_559 = arith.cmpi slt, %select_n3A_552, %lt3A_558 : i32
      %ne3A_560 = arith.xori %lt3A_557, %lt3A_559 : i1
      %and3A_561 = arith.andi %ne3A_560, %ne3A_555 : i1
      %add3A_562 = arith.addi %rem3A_553, %select_n3A_552 : i32
      %select_n3A_563 = arith.select %and3A_561, %add3A_562, %rem3A_553 : i32
      %eq3A_564 = arith.constant 0 : i32
      %eq3A_565 = arith.cmpi eq, %select_n3A_563, %eq3A_564 : i32
      %convert_element_type3A_566 = arith.extui %eq3A_565 : i1 to i32
      %cond3A_567 = arith.constant 0 : i32
      %cond3A_568 = arith.cmpi ne, %convert_element_type3A_566, %cond3A_567 : i32
      scf.if %cond3A_568 {
        %jit3A_861 = arith.constant 80 : i32
        %div3A_862 = arith.divsi %add3A_547, %jit3A_861 : i32
        %sign3A_863 = arith.constant 0 : i32
        %sign3A_864 = arith.cmpi sgt, %add3A_547, %sign3A_863 : i32
        %sign3A_865 = arith.extui %sign3A_864 : i1 to i32
        %sign3A_866 = arith.constant 0 : i32
        %sign3A_867 = arith.cmpi slt, %add3A_547, %sign3A_866 : i32
        %sign3A_868 = arith.extui %sign3A_867 : i1 to i32
        %sign3A_869 = arith.subi %sign3A_865, %sign3A_868 : i32
        %sign3A_870 = arith.constant 0 : i32
        %sign3A_871 = arith.cmpi sgt, %jit3A_861, %sign3A_870 : i32
        %sign3A_872 = arith.extui %sign3A_871 : i1 to i32
        %sign3A_873 = arith.constant 0 : i32
        %sign3A_874 = arith.cmpi slt, %jit3A_861, %sign3A_873 : i32
        %sign3A_875 = arith.extui %sign3A_874 : i1 to i32
        %sign3A_876 = arith.subi %sign3A_872, %sign3A_875 : i32
        %ne3A_877 = arith.cmpi ne, %sign3A_869, %sign3A_876 : i32
        %rem3A_878 = arith.remsi %add3A_547, %jit3A_861 : i32
        %ne3A_879 = arith.constant 0 : i32
        %ne3A_880 = arith.cmpi ne, %rem3A_878, %ne3A_879 : i32
        %and3A_881 = arith.andi %ne3A_877, %ne3A_880 : i1
        %sub3A_882 = arith.constant 1 : i32
        %sub3A_883 = arith.subi %div3A_862, %sub3A_882 : i32
        %select_n3A_884 = arith.select %and3A_881, %sub3A_883, %div3A_862 : i32
        %add3A_885 = arith.addi %mul3A_2, %select_n3A_884 : i32
        "tpu.region"() ({
          %run_scoped3A = tpu.sem_alloc : memref<!tpu.dma_semaphore, #tpu.memory_space<semaphore_mem>>
          %dma_start3A_886 = arith.constant 0 : i32
          %dma_start3A_887 = tpu.memref_slice %arg3[%add3A_885, %dma_start3A_886] : memref<64x100000xf32, #tpu.memory_space<hbm>> -> memref<1x100000xf32, #tpu.memory_space<hbm>>
          %dma_start3A_888 = tpu.memref_squeeze %dma_start3A_887 : memref<1x100000xf32, #tpu.memory_space<hbm>> -> memref<100000xf32, #tpu.memory_space<hbm>>
          %dma_start3A_889 = arith.constant 0 : i32
          %dma_start3A_890 = tpu.memref_slice %arg3[%add3A_885, %dma_start3A_889] : memref<64x100000xf32, #tpu.memory_space<hbm>> -> memref<1x100000xf32, #tpu.memory_space<hbm>>
          %dma_start3A_891 = tpu.memref_squeeze %dma_start3A_890 : memref<1x100000xf32, #tpu.memory_space<hbm>> -> memref<100000xf32, #tpu.memory_space<hbm>>
          tpu.enqueue_dma source(%dma_start3A_891 : memref<100000xf32, #tpu.memory_space<hbm>>) target(%arg6 : memref<100000xf32, #tpu.memory_space<vmem>>) target_semaphore(%run_scoped3A : memref<!tpu.dma_semaphore, #tpu.memory_space<semaphore_mem>>)
          %dma_wait3A_892 = arith.constant 0 : i32
          %dma_wait3A_893 = tpu.memref_slice %arg3[%add3A_885, %dma_wait3A_892] : memref<64x100000xf32, #tpu.memory_space<hbm>> -> memref<1x100000xf32, #tpu.memory_space<hbm>>
          %dma_wait3A_894 = tpu.memref_squeeze %dma_wait3A_893 : memref<1x100000xf32, #tpu.memory_space<hbm>> -> memref<100000xf32, #tpu.memory_space<hbm>>
          %dma_wait3A_895 = arith.constant 0 : i32
          %dma_wait3A_896 = tpu.memref_slice %arg3[%add3A_885, %dma_wait3A_895] : memref<64x100000xf32, #tpu.memory_space<hbm>> -> memref<1x100000xf32, #tpu.memory_space<hbm>>
          %dma_wait3A_897 = tpu.memref_squeeze %dma_wait3A_896 : memref<1x100000xf32, #tpu.memory_space<hbm>> -> memref<100000xf32, #tpu.memory_space<hbm>>
          tpu.wait_dma2 semaphore(%run_scoped3A : memref<!tpu.dma_semaphore, #tpu.memory_space<semaphore_mem>>) src(%dma_wait3A_897 : memref<100000xf32, #tpu.memory_space<hbm>>) dst(%arg6 : memref<100000xf32, #tpu.memory_space<vmem>>)
          tpu.yield
        }) : () -> ()
      } else {
      }
      %jit3A_569 = arith.constant 80 : i32
      %div3A_570 = arith.divsi %add3A_547, %jit3A_569 : i32
      %sign3A_571 = arith.constant 0 : i32
      %sign3A_572 = arith.cmpi sgt, %add3A_547, %sign3A_571 : i32
      %sign3A_573 = arith.extui %sign3A_572 : i1 to i32
      %sign3A_574 = arith.constant 0 : i32
      %sign3A_575 = arith.cmpi slt, %add3A_547, %sign3A_574 : i32
      %sign3A_576 = arith.extui %sign3A_575 : i1 to i32
      %sign3A_577 = arith.subi %sign3A_573, %sign3A_576 : i32
      %sign3A_578 = arith.constant 0 : i32
      %sign3A_579 = arith.cmpi sgt, %jit3A_569, %sign3A_578 : i32
      %sign3A_580 = arith.extui %sign3A_579 : i1 to i32
      %sign3A_581 = arith.constant 0 : i32
      %sign3A_582 = arith.cmpi slt, %jit3A_569, %sign3A_581 : i32
      %sign3A_583 = arith.extui %sign3A_582 : i1 to i32
      %sign3A_584 = arith.subi %sign3A_580, %sign3A_583 : i32
      %ne3A_585 = arith.cmpi ne, %sign3A_577, %sign3A_584 : i32
      %rem3A_586 = arith.remsi %add3A_547, %jit3A_569 : i32
      %ne3A_587 = arith.constant 0 : i32
      %ne3A_588 = arith.cmpi ne, %rem3A_586, %ne3A_587 : i32
      %and3A_589 = arith.andi %ne3A_585, %ne3A_588 : i1
      %sub3A_590 = arith.constant 1 : i32
      %sub3A_591 = arith.subi %div3A_570, %sub3A_590 : i32
      %select_n3A_592 = arith.select %and3A_589, %sub3A_591, %div3A_570 : i32
      %add3A_593 = arith.addi %mul3A_2, %select_n3A_592 : i32
      %jit3A_594 = arith.constant 80 : i32
      %eq3A_595 = arith.constant 0 : i32
      %eq3A_596 = arith.cmpi eq, %jit3A_594, %eq3A_595 : i32
      %jit3A_597 = arith.constant 1 : i32
      %select_n3A_598 = arith.select %eq3A_596, %jit3A_597, %jit3A_594 : i32
      %rem3A_599 = arith.remsi %add3A_547, %select_n3A_598 : i32
      %ne3A_600 = arith.constant 0 : i32
      %ne3A_601 = arith.cmpi ne, %rem3A_599, %ne3A_600 : i32
      %lt3A_602 = arith.constant 0 : i32
      %lt3A_603 = arith.cmpi slt, %rem3A_599, %lt3A_602 : i32
      %lt3A_604 = arith.constant 0 : i32
      %lt3A_605 = arith.cmpi slt, %select_n3A_598, %lt3A_604 : i32
      %ne3A_606 = arith.xori %lt3A_603, %lt3A_605 : i1
      %and3A_607 = arith.andi %ne3A_606, %ne3A_601 : i1
      %add3A_608 = arith.addi %rem3A_599, %select_n3A_598 : i32
      %select_n3A_609 = arith.select %and3A_607, %add3A_608, %rem3A_599 : i32
      %jit3A_610 = arith.constant 4 : i32
      %div3A_611 = arith.divsi %select_n3A_609, %jit3A_610 : i32
      %sign3A_612 = arith.constant 0 : i32
      %sign3A_613 = arith.cmpi sgt, %select_n3A_609, %sign3A_612 : i32
      %sign3A_614 = arith.extui %sign3A_613 : i1 to i32
      %sign3A_615 = arith.constant 0 : i32
      %sign3A_616 = arith.cmpi slt, %select_n3A_609, %sign3A_615 : i32
      %sign3A_617 = arith.extui %sign3A_616 : i1 to i32
      %sign3A_618 = arith.subi %sign3A_614, %sign3A_617 : i32
      %sign3A_619 = arith.constant 0 : i32
      %sign3A_620 = arith.cmpi sgt, %jit3A_610, %sign3A_619 : i32
      %sign3A_621 = arith.extui %sign3A_620 : i1 to i32
      %sign3A_622 = arith.constant 0 : i32
      %sign3A_623 = arith.cmpi slt, %jit3A_610, %sign3A_622 : i32
      %sign3A_624 = arith.extui %sign3A_623 : i1 to i32
      %sign3A_625 = arith.subi %sign3A_621, %sign3A_624 : i32
      %ne3A_626 = arith.cmpi ne, %sign3A_618, %sign3A_625 : i32
      %rem3A_627 = arith.remsi %select_n3A_609, %jit3A_610 : i32
      %ne3A_628 = arith.constant 0 : i32
      %ne3A_629 = arith.cmpi ne, %rem3A_627, %ne3A_628 : i32
      %and3A_630 = arith.andi %ne3A_626, %ne3A_629 : i1
      %sub3A_631 = arith.constant 1 : i32
      %sub3A_632 = arith.subi %div3A_611, %sub3A_631 : i32
      %select_n3A_633 = arith.select %and3A_630, %sub3A_632, %div3A_611 : i32
      %jit3A_634 = arith.constant 4 : i32
      %eq3A_635 = arith.constant 0 : i32
      %eq3A_636 = arith.cmpi eq, %jit3A_634, %eq3A_635 : i32
      %jit3A_637 = arith.constant 1 : i32
      %select_n3A_638 = arith.select %eq3A_636, %jit3A_637, %jit3A_634 : i32
      %rem3A_639 = arith.remsi %select_n3A_609, %select_n3A_638 : i32
      %ne3A_640 = arith.constant 0 : i32
      %ne3A_641 = arith.cmpi ne, %rem3A_639, %ne3A_640 : i32
      %lt3A_642 = arith.constant 0 : i32
      %lt3A_643 = arith.cmpi slt, %rem3A_639, %lt3A_642 : i32
      %lt3A_644 = arith.constant 0 : i32
      %lt3A_645 = arith.cmpi slt, %select_n3A_638, %lt3A_644 : i32
      %ne3A_646 = arith.xori %lt3A_643, %lt3A_645 : i1
      %and3A_647 = arith.andi %ne3A_646, %ne3A_641 : i1
      %add3A_648 = arith.addi %rem3A_639, %select_n3A_638 : i32
      %select_n3A_649 = arith.select %and3A_647, %add3A_648, %rem3A_639 : i32
      %mul3A_650 = arith.constant 4096 : i32
      %mul3A_651 = arith.muli %select_n3A_649, %mul3A_650 : i32
      %multiple_of3A_652 = tpu.assume_multiple %mul3A_651, 4096 : i32
      %dma_wait3A_653 = tpu.memref_slice %arg2[%select_n3A_633, %multiple_of3A_652] : memref<20x16384xi32, #tpu.memory_space<hbm>> -> memref<1x4096xi32, #tpu.memory_space<hbm>>
      %dma_wait3A_654 = tpu.memref_squeeze %dma_wait3A_653 : memref<1x4096xi32, #tpu.memory_space<hbm>> -> memref<4096xi32, #tpu.memory_space<hbm>>
      %dma_wait3A_655 = tpu.memref_slice %arg2[%select_n3A_633, %multiple_of3A_652] : memref<20x16384xi32, #tpu.memory_space<hbm>> -> memref<1x4096xi32, #tpu.memory_space<hbm>>
      %dma_wait3A_656 = tpu.memref_squeeze %dma_wait3A_655 : memref<1x4096xi32, #tpu.memory_space<hbm>> -> memref<4096xi32, #tpu.memory_space<hbm>>
      tpu.wait_dma2 semaphore(%arg14 : memref<!tpu.dma_semaphore, #tpu.memory_space<semaphore_mem>>) src(%dma_wait3A_656 : memref<4096xi32, #tpu.memory_space<hbm>>) dst(%arg8 : memref<4096xi32, #tpu.memory_space<vmem>>)
      %mul3A_657 = arith.constant 64 : i32
      %mul3A_658 = arith.muli %select_n3A_633, %mul3A_657 : i32
      %add3A_659 = arith.addi %mul3A_658, %add3A_593 : i32
      %mul3A_660 = arith.constant 16384 : i32
      %mul3A_661 = arith.muli %add3A_659, %mul3A_660 : i32
      %add3A_662 = arith.addi %mul3A_661, %multiple_of3A_652 : i32
      %jit3A_663 = arith.constant 32 : i32
      %div3A_664 = arith.divsi %add3A_662, %jit3A_663 : i32
      %sign3A_665 = arith.constant 0 : i32
      %sign3A_666 = arith.cmpi sgt, %add3A_662, %sign3A_665 : i32
      %sign3A_667 = arith.extui %sign3A_666 : i1 to i32
      %sign3A_668 = arith.constant 0 : i32
      %sign3A_669 = arith.cmpi slt, %add3A_662, %sign3A_668 : i32
      %sign3A_670 = arith.extui %sign3A_669 : i1 to i32
      %sign3A_671 = arith.subi %sign3A_667, %sign3A_670 : i32
      %sign3A_672 = arith.constant 0 : i32
      %sign3A_673 = arith.cmpi sgt, %jit3A_663, %sign3A_672 : i32
      %sign3A_674 = arith.extui %sign3A_673 : i1 to i32
      %sign3A_675 = arith.constant 0 : i32
      %sign3A_676 = arith.cmpi slt, %jit3A_663, %sign3A_675 : i32
      %sign3A_677 = arith.extui %sign3A_676 : i1 to i32
      %sign3A_678 = arith.subi %sign3A_674, %sign3A_677 : i32
      %ne3A_679 = arith.cmpi ne, %sign3A_671, %sign3A_678 : i32
      %rem3A_680 = arith.remsi %add3A_662, %jit3A_663 : i32
      %ne3A_681 = arith.constant 0 : i32
      %ne3A_682 = arith.cmpi ne, %rem3A_680, %ne3A_681 : i32
      %and3A_683 = arith.andi %ne3A_679, %ne3A_682 : i1
      %sub3A_684 = arith.constant 1 : i32
      %sub3A_685 = arith.subi %div3A_664, %sub3A_684 : i32
      %select_n3A_686 = arith.select %and3A_683, %sub3A_685, %div3A_664 : i32
      %multiple_of3A_687 = tpu.assume_multiple %select_n3A_686, 128 : i32
      %dma_wait3A_688 = tpu.memref_slice %arg4[%multiple_of3A_687] : memref<655360xi32, #tpu.memory_space<hbm>> -> memref<128xi32, #tpu.memory_space<hbm>>
      %dma_wait3A_689 = tpu.memref_slice %arg4[%multiple_of3A_687] : memref<655360xi32, #tpu.memory_space<hbm>> -> memref<128xi32, #tpu.memory_space<hbm>>
      tpu.wait_dma2 semaphore(%arg18 : memref<!tpu.dma_semaphore, #tpu.memory_space<semaphore_mem>>) src(%dma_wait3A_689 : memref<128xi32, #tpu.memory_space<hbm>>) dst(%arg12 : memref<128xi32, #tpu.memory_space<vmem>>)
      %ge3A_690 = arith.constant 2 : i32
      %ge3A_691 = arith.cmpi sge, %add3A_547, %ge3A_690 : i32
      %convert_element_type3A_692 = arith.extui %ge3A_691 : i1 to i32
      %cond3A_693 = arith.constant 0 : i32
      %cond3A_694 = arith.cmpi ne, %convert_element_type3A_692, %cond3A_693 : i32
      scf.if %cond3A_694 {
        %sub3A_861 = arith.constant 2 : i32
        %sub3A_862 = arith.subi %add3A_547, %sub3A_861 : i32
        %jit3A_863 = arith.constant 80 : i32
        %div3A_864 = arith.divsi %sub3A_862, %jit3A_863 : i32
        %sign3A_865 = arith.constant 0 : i32
        %sign3A_866 = arith.cmpi sgt, %sub3A_862, %sign3A_865 : i32
        %sign3A_867 = arith.extui %sign3A_866 : i1 to i32
        %sign3A_868 = arith.constant 0 : i32
        %sign3A_869 = arith.cmpi slt, %sub3A_862, %sign3A_868 : i32
        %sign3A_870 = arith.extui %sign3A_869 : i1 to i32
        %sign3A_871 = arith.subi %sign3A_867, %sign3A_870 : i32
        %sign3A_872 = arith.constant 0 : i32
        %sign3A_873 = arith.cmpi sgt, %jit3A_863, %sign3A_872 : i32
        %sign3A_874 = arith.extui %sign3A_873 : i1 to i32
        %sign3A_875 = arith.constant 0 : i32
        %sign3A_876 = arith.cmpi slt, %jit3A_863, %sign3A_875 : i32
        %sign3A_877 = arith.extui %sign3A_876 : i1 to i32
        %sign3A_878 = arith.subi %sign3A_874, %sign3A_877 : i32
        %ne3A_879 = arith.cmpi ne, %sign3A_871, %sign3A_878 : i32
        %rem3A_880 = arith.remsi %sub3A_862, %jit3A_863 : i32
        %ne3A_881 = arith.constant 0 : i32
        %ne3A_882 = arith.cmpi ne, %rem3A_880, %ne3A_881 : i32
        %and3A_883 = arith.andi %ne3A_879, %ne3A_882 : i1
        %sub3A_884 = arith.constant 1 : i32
        %sub3A_885 = arith.subi %div3A_864, %sub3A_884 : i32
        %select_n3A_886 = arith.select %and3A_883, %sub3A_885, %div3A_864 : i32
        %add3A_887 = arith.addi %mul3A_2, %select_n3A_886 : i32
        %jit3A_888 = arith.constant 80 : i32
        %eq3A_889 = arith.constant 0 : i32
        %eq3A_890 = arith.cmpi eq, %jit3A_888, %eq3A_889 : i32
        %jit3A_891 = arith.constant 1 : i32
        %select_n3A_892 = arith.select %eq3A_890, %jit3A_891, %jit3A_888 : i32
        %rem3A_893 = arith.remsi %sub3A_862, %select_n3A_892 : i32
        %ne3A_894 = arith.constant 0 : i32
        %ne3A_895 = arith.cmpi ne, %rem3A_893, %ne3A_894 : i32
        %lt3A_896 = arith.constant 0 : i32
        %lt3A_897 = arith.cmpi slt, %rem3A_893, %lt3A_896 : i32
        %lt3A_898 = arith.constant 0 : i32
        %lt3A_899 = arith.cmpi slt, %select_n3A_892, %lt3A_898 : i32
        %ne3A_900 = arith.xori %lt3A_897, %lt3A_899 : i1
        %and3A_901 = arith.andi %ne3A_900, %ne3A_895 : i1
        %add3A_902 = arith.addi %rem3A_893, %select_n3A_892 : i32
        %select_n3A_903 = arith.select %and3A_901, %add3A_902, %rem3A_893 : i32
        %jit3A_904 = arith.constant 4 : i32
        %div3A_905 = arith.divsi %select_n3A_903, %jit3A_904 : i32
        %sign3A_906 = arith.constant 0 : i32
        %sign3A_907 = arith.cmpi sgt, %select_n3A_903, %sign3A_906 : i32
        %sign3A_908 = arith.extui %sign3A_907 : i1 to i32
        %sign3A_909 = arith.constant 0 : i32
        %sign3A_910 = arith.cmpi slt, %select_n3A_903, %sign3A_909 : i32
        %sign3A_911 = arith.extui %sign3A_910 : i1 to i32
        %sign3A_912 = arith.subi %sign3A_908, %sign3A_911 : i32
        %sign3A_913 = arith.constant 0 : i32
        %sign3A_914 = arith.cmpi sgt, %jit3A_904, %sign3A_913 : i32
        %sign3A_915 = arith.extui %sign3A_914 : i1 to i32
        %sign3A_916 = arith.constant 0 : i32
        %sign3A_917 = arith.cmpi slt, %jit3A_904, %sign3A_916 : i32
        %sign3A_918 = arith.extui %sign3A_917 : i1 to i32
        %sign3A_919 = arith.subi %sign3A_915, %sign3A_918 : i32
        %ne3A_920 = arith.cmpi ne, %sign3A_912, %sign3A_919 : i32
        %rem3A_921 = arith.remsi %select_n3A_903, %jit3A_904 : i32
        %ne3A_922 = arith.constant 0 : i32
        %ne3A_923 = arith.cmpi ne, %rem3A_921, %ne3A_922 : i32
        %and3A_924 = arith.andi %ne3A_920, %ne3A_923 : i1
        %sub3A_925 = arith.constant 1 : i32
        %sub3A_926 = arith.subi %div3A_905, %sub3A_925 : i32
        %select_n3A_927 = arith.select %and3A_924, %sub3A_926, %div3A_905 : i32
        %jit3A_928 = arith.constant 4 : i32
        %eq3A_929 = arith.constant 0 : i32
        %eq3A_930 = arith.cmpi eq, %jit3A_928, %eq3A_929 : i32
        %jit3A_931 = arith.constant 1 : i32
        %select_n3A_932 = arith.select %eq3A_930, %jit3A_931, %jit3A_928 : i32
        %rem3A_933 = arith.remsi %select_n3A_903, %select_n3A_932 : i32
        %ne3A_934 = arith.constant 0 : i32
        %ne3A_935 = arith.cmpi ne, %rem3A_933, %ne3A_934 : i32
        %lt3A_936 = arith.constant 0 : i32
        %lt3A_937 = arith.cmpi slt, %rem3A_933, %lt3A_936 : i32
        %lt3A_938 = arith.constant 0 : i32
        %lt3A_939 = arith.cmpi slt, %select_n3A_932, %lt3A_938 : i32
        %ne3A_940 = arith.xori %lt3A_937, %lt3A_939 : i1
        %and3A_941 = arith.andi %ne3A_940, %ne3A_935 : i1
        %add3A_942 = arith.addi %rem3A_933, %select_n3A_932 : i32
        %select_n3A_943 = arith.select %and3A_941, %add3A_942, %rem3A_933 : i32
        %mul3A_944 = arith.constant 4096 : i32
        %mul3A_945 = arith.muli %select_n3A_943, %mul3A_944 : i32
        %multiple_of3A_946 = tpu.assume_multiple %mul3A_945, 4096 : i32
        %jit3A_947 = arith.constant 128 : i32
        %div3A_948 = arith.divsi %multiple_of3A_946, %jit3A_947 : i32
        %sign3A_949 = arith.constant 0 : i32
        %sign3A_950 = arith.cmpi sgt, %multiple_of3A_946, %sign3A_949 : i32
        %sign3A_951 = arith.extui %sign3A_950 : i1 to i32
        %sign3A_952 = arith.constant 0 : i32
        %sign3A_953 = arith.cmpi slt, %multiple_of3A_946, %sign3A_952 : i32
        %sign3A_954 = arith.extui %sign3A_953 : i1 to i32
        %sign3A_955 = arith.subi %sign3A_951, %sign3A_954 : i32
        %sign3A_956 = arith.constant 0 : i32
        %sign3A_957 = arith.cmpi sgt, %jit3A_947, %sign3A_956 : i32
        %sign3A_958 = arith.extui %sign3A_957 : i1 to i32
        %sign3A_959 = arith.constant 0 : i32
        %sign3A_960 = arith.cmpi slt, %jit3A_947, %sign3A_959 : i32
        %sign3A_961 = arith.extui %sign3A_960 : i1 to i32
        %sign3A_962 = arith.subi %sign3A_958, %sign3A_961 : i32
        %ne3A_963 = arith.cmpi ne, %sign3A_955, %sign3A_962 : i32
        %rem3A_964 = arith.remsi %multiple_of3A_946, %jit3A_947 : i32
        %ne3A_965 = arith.constant 0 : i32
        %ne3A_966 = arith.cmpi ne, %rem3A_964, %ne3A_965 : i32
        %and3A_967 = arith.andi %ne3A_963, %ne3A_966 : i1
        %sub3A_968 = arith.constant 1 : i32
        %sub3A_969 = arith.subi %div3A_948, %sub3A_968 : i32
        %select_n3A_970 = arith.select %and3A_967, %sub3A_969, %div3A_948 : i32
        %multiple_of3A_971 = tpu.assume_multiple %select_n3A_970, 32 : i32
        %jit3A_972 = arith.constant 8 : i32
        %div3A_973 = arith.divsi %add3A_887, %jit3A_972 : i32
        %sign3A_974 = arith.constant 0 : i32
        %sign3A_975 = arith.cmpi sgt, %add3A_887, %sign3A_974 : i32
        %sign3A_976 = arith.extui %sign3A_975 : i1 to i32
        %sign3A_977 = arith.constant 0 : i32
        %sign3A_978 = arith.cmpi slt, %add3A_887, %sign3A_977 : i32
        %sign3A_979 = arith.extui %sign3A_978 : i1 to i32
        %sign3A_980 = arith.subi %sign3A_976, %sign3A_979 : i32
        %sign3A_981 = arith.constant 0 : i32
        %sign3A_982 = arith.cmpi sgt, %jit3A_972, %sign3A_981 : i32
        %sign3A_983 = arith.extui %sign3A_982 : i1 to i32
        %sign3A_984 = arith.constant 0 : i32
        %sign3A_985 = arith.cmpi slt, %jit3A_972, %sign3A_984 : i32
        %sign3A_986 = arith.extui %sign3A_985 : i1 to i32
        %sign3A_987 = arith.subi %sign3A_983, %sign3A_986 : i32
        %ne3A_988 = arith.cmpi ne, %sign3A_980, %sign3A_987 : i32
        %rem3A_989 = arith.remsi %add3A_887, %jit3A_972 : i32
        %ne3A_990 = arith.constant 0 : i32
        %ne3A_991 = arith.cmpi ne, %rem3A_989, %ne3A_990 : i32
        %and3A_992 = arith.andi %ne3A_988, %ne3A_991 : i1
        %sub3A_993 = arith.constant 1 : i32
        %sub3A_994 = arith.subi %div3A_973, %sub3A_993 : i32
        %select_n3A_995 = arith.select %and3A_992, %sub3A_994, %div3A_973 : i32
        %jit3A_996 = arith.constant 8 : i32
        %eq3A_997 = arith.constant 0 : i32
        %eq3A_998 = arith.cmpi eq, %jit3A_996, %eq3A_997 : i32
        %jit3A_999 = arith.constant 1 : i32
        %select_n3A_1000 = arith.select %eq3A_998, %jit3A_999, %jit3A_996 : i32
        %rem3A_1001 = arith.remsi %add3A_887, %select_n3A_1000 : i32
        %ne3A_1002 = arith.constant 0 : i32
        %ne3A_1003 = arith.cmpi ne, %rem3A_1001, %ne3A_1002 : i32
        %lt3A_1004 = arith.constant 0 : i32
        %lt3A_1005 = arith.cmpi slt, %rem3A_1001, %lt3A_1004 : i32
        %lt3A_1006 = arith.constant 0 : i32
        %lt3A_1007 = arith.cmpi slt, %select_n3A_1000, %lt3A_1006 : i32
        %ne3A_1008 = arith.xori %lt3A_1005, %lt3A_1007 : i1
        %and3A_1009 = arith.andi %ne3A_1008, %ne3A_1003 : i1
        %add3A_1010 = arith.addi %rem3A_1001, %select_n3A_1000 : i32
        %select_n3A_1011 = arith.select %and3A_1009, %add3A_1010, %rem3A_1001 : i32
        %dma_wait3A_1012 = arith.constant 0 : i32
        %dma_wait3A_1013 = tpu.memref_slice %arg5[%select_n3A_927, %select_n3A_995, %multiple_of3A_971, %select_n3A_1011, %dma_wait3A_1012] : memref<20x8x128x8x128xf32, #tpu.memory_space<hbm>> -> memref<1x1x32x1x128xf32, #tpu.memory_space<hbm>>
        %dma_wait3A_1014 = tpu.memref_squeeze %dma_wait3A_1013 : memref<1x1x32x1x128xf32, #tpu.memory_space<hbm>> -> memref<32x128xf32, #tpu.memory_space<hbm>>
        %dma_wait3A_1015 = arith.constant 0 : i32
        %dma_wait3A_1016 = tpu.memref_slice %arg5[%select_n3A_927, %select_n3A_995, %multiple_of3A_971, %select_n3A_1011, %dma_wait3A_1015] : memref<20x8x128x8x128xf32, #tpu.memory_space<hbm>> -> memref<1x1x32x1x128xf32, #tpu.memory_space<hbm>>
        %dma_wait3A_1017 = tpu.memref_squeeze %dma_wait3A_1016 : memref<1x1x32x1x128xf32, #tpu.memory_space<hbm>> -> memref<32x128xf32, #tpu.memory_space<hbm>>
        tpu.wait_dma2 semaphore(%arg16 : memref<!tpu.dma_semaphore, #tpu.memory_space<semaphore_mem>>) src(%arg10 : memref<32x128xf32, #tpu.memory_space<vmem>>) dst(%dma_wait3A_1017 : memref<32x128xf32, #tpu.memory_space<hbm>>)
      } else {
      }
      %parallel_loop3A_695 = arith.constant 0 : i32
      %parallel_loop3A_696 = arith.constant 256 : i32
      %parallel_loop3A_697 = arith.constant 1 : i32
      scf.for %parallel_loop3A_861 = %parallel_loop3A_695 to %parallel_loop3A_696 step %parallel_loop3A_697  : i32 {
        %parallel_loop3A_862 = arith.constant 16 : i32
        %parallel_loop3A_863 = arith.muli %parallel_loop3A_861, %parallel_loop3A_862 : i32
        %parallel_loop3A_864 = tpu.assume_multiple %parallel_loop3A_863, 16 : i32
        %parallel_loop3A_865 = arith.constant 32 : i32
        %parallel_loop3A_866 = arith.divsi %parallel_loop3A_861, %parallel_loop3A_865 : i32
        %parallel_loop3A_867 = arith.constant 0 : i32
        %parallel_loop3A_868 = arith.cmpi sgt, %parallel_loop3A_861, %parallel_loop3A_867 : i32
        %parallel_loop3A_869 = arith.extui %parallel_loop3A_868 : i1 to i32
        %parallel_loop3A_870 = arith.constant 0 : i32
        %parallel_loop3A_871 = arith.cmpi slt, %parallel_loop3A_861, %parallel_loop3A_870 : i32
        %parallel_loop3A_872 = arith.extui %parallel_loop3A_871 : i1 to i32
        %parallel_loop3A_873 = arith.subi %parallel_loop3A_869, %parallel_loop3A_872 : i32
        %parallel_loop3A_874 = arith.constant 0 : i32
        %parallel_loop3A_875 = arith.cmpi sgt, %parallel_loop3A_865, %parallel_loop3A_874 : i32
        %parallel_loop3A_876 = arith.extui %parallel_loop3A_875 : i1 to i32
        %parallel_loop3A_877 = arith.constant 0 : i32
        %parallel_loop3A_878 = arith.cmpi slt, %parallel_loop3A_865, %parallel_loop3A_877 : i32
        %parallel_loop3A_879 = arith.extui %parallel_loop3A_878 : i1 to i32
        %parallel_loop3A_880 = arith.subi %parallel_loop3A_876, %parallel_loop3A_879 : i32
        %parallel_loop3A_881 = arith.cmpi ne, %parallel_loop3A_873, %parallel_loop3A_880 : i32
        %parallel_loop3A_882 = arith.remsi %parallel_loop3A_861, %parallel_loop3A_865 : i32
        %parallel_loop3A_883 = arith.constant 0 : i32
        %parallel_loop3A_884 = arith.cmpi ne, %parallel_loop3A_882, %parallel_loop3A_883 : i32
        %parallel_loop3A_885 = arith.andi %parallel_loop3A_881, %parallel_loop3A_884 : i1
        %parallel_loop3A_886 = arith.constant 1 : i32
        %parallel_loop3A_887 = arith.subi %parallel_loop3A_866, %parallel_loop3A_886 : i32
        %parallel_loop3A_888 = arith.select %parallel_loop3A_885, %parallel_loop3A_887, %parallel_loop3A_866 : i32
        %parallel_loop3A_889 = arith.constant 16 : i32
        %parallel_loop3A_890 = arith.muli %parallel_loop3A_888, %parallel_loop3A_889 : i32
        %parallel_loop3A_891 = tpu.assume_multiple %parallel_loop3A_890, 16 : i32
        %parallel_loop3A_892 = arith.index_cast %parallel_loop3A_891 : i32 to index
        %parallel_loop3A_893 = tpu.vector_load %arg12[%parallel_loop3A_892] {strides = array<i32>} : memref<128xi32, #tpu.memory_space<vmem>>, vector<16xi32>,
        %parallel_loop3A_894 = arith.constant 32 : i32
        %parallel_loop3A_895 = arith.constant 0 : i32
        %parallel_loop3A_896 = arith.cmpi eq, %parallel_loop3A_894, %parallel_loop3A_895 : i32
        %parallel_loop3A_897 = arith.constant 1 : i32
        %parallel_loop3A_898 = arith.select %parallel_loop3A_896, %parallel_loop3A_897, %parallel_loop3A_894 : i32
        %parallel_loop3A_899 = arith.remsi %parallel_loop3A_861, %parallel_loop3A_898 : i32
        %parallel_loop3A_900 = arith.constant 0 : i32
        %parallel_loop3A_901 = arith.cmpi ne, %parallel_loop3A_899, %parallel_loop3A_900 : i32
        %parallel_loop3A_902 = arith.constant 0 : i32
        %parallel_loop3A_903 = arith.cmpi slt, %parallel_loop3A_899, %parallel_loop3A_902 : i32
        %parallel_loop3A_904 = arith.constant 0 : i32
        %parallel_loop3A_905 = arith.cmpi slt, %parallel_loop3A_898, %parallel_loop3A_904 : i32
        %parallel_loop3A_906 = arith.xori %parallel_loop3A_903, %parallel_loop3A_905 : i1
        %parallel_loop3A_907 = arith.andi %parallel_loop3A_906, %parallel_loop3A_901 : i1
        %parallel_loop3A_908 = arith.addi %parallel_loop3A_899, %parallel_loop3A_898 : i32
        %parallel_loop3A_909 = arith.select %parallel_loop3A_907, %parallel_loop3A_908, %parallel_loop3A_899 : i32
        %parallel_loop3A_910 = arith.index_cast %parallel_loop3A_864 : i32 to index
        %parallel_loop3A_911 = tpu.vector_load %arg8[%parallel_loop3A_910] {strides = array<i32>} : memref<4096xi32, #tpu.memory_space<vmem>>, vector<16xi32>,
        %parallel_loop3A_912 = tpu.vector_load_idx %arg6[%parallel_loop3A_911] : memref<100000xf32, #tpu.memory_space<vmem>>[vector<16xi32>], vector<16xf32>,
        %parallel_loop3A_913 = vector.broadcast %parallel_loop3A_909 : i32 to vector<16xi32>
        %parallel_loop3A_914 = arith.shrui %parallel_loop3A_893, %parallel_loop3A_913 : vector<16xi32>
        %parallel_loop3A_915 = arith.constant 1 : i32
        %parallel_loop3A_916 = vector.broadcast %parallel_loop3A_915 : i32 to vector<16xi32>
        %parallel_loop3A_917 = arith.andi %parallel_loop3A_914, %parallel_loop3A_916 : vector<16xi32>
        %parallel_loop3A_918 = arith.constant 8 : i32
        %parallel_loop3A_919 = arith.divsi %parallel_loop3A_861, %parallel_loop3A_918 : i32
        %parallel_loop3A_920 = arith.constant 0 : i32
        %parallel_loop3A_921 = arith.cmpi sgt, %parallel_loop3A_861, %parallel_loop3A_920 : i32
        %parallel_loop3A_922 = arith.extui %parallel_loop3A_921 : i1 to i32
        %parallel_loop3A_923 = arith.constant 0 : i32
        %parallel_loop3A_924 = arith.cmpi slt, %parallel_loop3A_861, %parallel_loop3A_923 : i32
        %parallel_loop3A_925 = arith.extui %parallel_loop3A_924 : i1 to i32
        %parallel_loop3A_926 = arith.subi %parallel_loop3A_922, %parallel_loop3A_925 : i32
        %parallel_loop3A_927 = arith.constant 0 : i32
        %parallel_loop3A_928 = arith.cmpi sgt, %parallel_loop3A_918, %parallel_loop3A_927 : i32
        %parallel_loop3A_929 = arith.extui %parallel_loop3A_928 : i1 to i32
        %parallel_loop3A_930 = arith.constant 0 : i32
        %parallel_loop3A_931 = arith.cmpi slt, %parallel_loop3A_918, %parallel_loop3A_930 : i32
        %parallel_loop3A_932 = arith.extui %parallel_loop3A_931 : i1 to i32
        %parallel_loop3A_933 = arith.subi %parallel_loop3A_929, %parallel_loop3A_932 : i32
        %parallel_loop3A_934 = arith.cmpi ne, %parallel_loop3A_926, %parallel_loop3A_933 : i32
        %parallel_loop3A_935 = arith.remsi %parallel_loop3A_861, %parallel_loop3A_918 : i32
        %parallel_loop3A_936 = arith.constant 0 : i32
        %parallel_loop3A_937 = arith.cmpi ne, %parallel_loop3A_935, %parallel_loop3A_936 : i32
        %parallel_loop3A_938 = arith.andi %parallel_loop3A_934, %parallel_loop3A_937 : i1
        %parallel_loop3A_939 = arith.constant 1 : i32
        %parallel_loop3A_940 = arith.subi %parallel_loop3A_919, %parallel_loop3A_939 : i32
        %parallel_loop3A_941 = arith.select %parallel_loop3A_938, %parallel_loop3A_940, %parallel_loop3A_919 : i32
        %parallel_loop3A_942 = arith.constant 8 : i32
        %parallel_loop3A_943 = arith.constant 0 : i32
        %parallel_loop3A_944 = arith.cmpi eq, %parallel_loop3A_942, %parallel_loop3A_943 : i32
        %parallel_loop3A_945 = arith.constant 1 : i32
        %parallel_loop3A_946 = arith.select %parallel_loop3A_944, %parallel_loop3A_945, %parallel_loop3A_942 : i32
        %parallel_loop3A_947 = arith.remsi %parallel_loop3A_861, %parallel_loop3A_946 : i32
        %parallel_loop3A_948 = arith.constant 0 : i32
        %parallel_loop3A_949 = arith.cmpi ne, %parallel_loop3A_947, %parallel_loop3A_948 : i32
        %parallel_loop3A_950 = arith.constant 0 : i32
        %parallel_loop3A_951 = arith.cmpi slt, %parallel_loop3A_947, %parallel_loop3A_950 : i32
        %parallel_loop3A_952 = arith.constant 0 : i32
        %parallel_loop3A_953 = arith.cmpi slt, %parallel_loop3A_946, %parallel_loop3A_952 : i32
        %parallel_loop3A_954 = arith.xori %parallel_loop3A_951, %parallel_loop3A_953 : i1
        %parallel_loop3A_955 = arith.andi %parallel_loop3A_954, %parallel_loop3A_949 : i1
        %parallel_loop3A_956 = arith.addi %parallel_loop3A_947, %parallel_loop3A_946 : i32
        %parallel_loop3A_957 = arith.select %parallel_loop3A_955, %parallel_loop3A_956, %parallel_loop3A_947 : i32
        %parallel_loop3A_958 = arith.constant 16 : i32
        %parallel_loop3A_959 = arith.muli %parallel_loop3A_957, %parallel_loop3A_958 : i32
        %parallel_loop3A_960 = tpu.assume_multiple %parallel_loop3A_959, 16 : i32
        %parallel_loop3A_961 = arith.uitofp %parallel_loop3A_917 : vector<16xi32> to vector<16xf32>
        %parallel_loop3A_962 = arith.constant 1.11111116 : f32
        %parallel_loop3A_963 = vector.broadcast %parallel_loop3A_962 : f32 to vector<16xf32>
        %parallel_loop3A_964 = arith.mulf %parallel_loop3A_961, %parallel_loop3A_963 : vector<16xf32>
        %parallel_loop3A_965 = arith.mulf %parallel_loop3A_912, %parallel_loop3A_964 : vector<16xf32>
        %parallel_loop3A_966 = arith.index_cast %parallel_loop3A_941 : i32 to index
        %parallel_loop3A_967 = arith.index_cast %parallel_loop3A_960 : i32 to index
        %parallel_loop3A_968 = tpu.vector_load %arg10[%parallel_loop3A_966, %parallel_loop3A_967] {strides = array<i32>} : memref<32x128xf32, #tpu.memory_space<vmem>>, vector<16xf32>,
        tpu.vector_store %arg10[%parallel_loop3A_966, %parallel_loop3A_967], %parallel_loop3A_965 {strides = array<i32>} : memref<32x128xf32, #tpu.memory_space<vmem>>, vector<16xf32>,
      } {sc.loop_unroll_factor = 16 : i64, sc.parallel_access}
      %jit3A_698 = arith.constant 80 : i32
      %div3A_699 = arith.divsi %add3A_547, %jit3A_698 : i32
      %sign3A_700 = arith.constant 0 : i32
      %sign3A_701 = arith.cmpi sgt, %add3A_547, %sign3A_700 : i32
      %sign3A_702 = arith.extui %sign3A_701 : i1 to i32
      %sign3A_703 = arith.constant 0 : i32
      %sign3A_704 = arith.cmpi slt, %add3A_547, %sign3A_703 : i32
      %sign3A_705 = arith.extui %sign3A_704 : i1 to i32
      %sign3A_706 = arith.subi %sign3A_702, %sign3A_705 : i32
      %sign3A_707 = arith.constant 0 : i32
      %sign3A_708 = arith.cmpi sgt, %jit3A_698, %sign3A_707 : i32
      %sign3A_709 = arith.extui %sign3A_708 : i1 to i32
      %sign3A_710 = arith.constant 0 : i32
      %sign3A_711 = arith.cmpi slt, %jit3A_698, %sign3A_710 : i32
      %sign3A_712 = arith.extui %sign3A_711 : i1 to i32
      %sign3A_713 = arith.subi %sign3A_709, %sign3A_712 : i32
      %ne3A_714 = arith.cmpi ne, %sign3A_706, %sign3A_713 : i32
      %rem3A_715 = arith.remsi %add3A_547, %jit3A_698 : i32
      %ne3A_716 = arith.constant 0 : i32
      %ne3A_717 = arith.cmpi ne, %rem3A_715, %ne3A_716 : i32
      %and3A_718 = arith.andi %ne3A_714, %ne3A_717 : i1
      %sub3A_719 = arith.constant 1 : i32
      %sub3A_720 = arith.subi %div3A_699, %sub3A_719 : i32
      %select_n3A_721 = arith.select %and3A_718, %sub3A_720, %div3A_699 : i32
      %add3A_722 = arith.addi %mul3A_2, %select_n3A_721 : i32
      %jit3A_723 = arith.constant 80 : i32
      %eq3A_724 = arith.constant 0 : i32
      %eq3A_725 = arith.cmpi eq, %jit3A_723, %eq3A_724 : i32
      %jit3A_726 = arith.constant 1 : i32
      %select_n3A_727 = arith.select %eq3A_725, %jit3A_726, %jit3A_723 : i32
      %rem3A_728 = arith.remsi %add3A_547, %select_n3A_727 : i32
      %ne3A_729 = arith.constant 0 : i32
      %ne3A_730 = arith.cmpi ne, %rem3A_728, %ne3A_729 : i32
      %lt3A_731 = arith.constant 0 : i32
      %lt3A_732 = arith.cmpi slt, %rem3A_728, %lt3A_731 : i32
      %lt3A_733 = arith.constant 0 : i32
      %lt3A_734 = arith.cmpi slt, %select_n3A_727, %lt3A_733 : i32
      %ne3A_735 = arith.xori %lt3A_732, %lt3A_734 : i1
      %and3A_736 = arith.andi %ne3A_735, %ne3A_730 : i1
      %add3A_737 = arith.addi %rem3A_728, %select_n3A_727 : i32
      %select_n3A_738 = arith.select %and3A_736, %add3A_737, %rem3A_728 : i32
      %jit3A_739 = arith.constant 4 : i32
      %div3A_740 = arith.divsi %select_n3A_738, %jit3A_739 : i32
      %sign3A_741 = arith.constant 0 : i32
      %sign3A_742 = arith.cmpi sgt, %select_n3A_738, %sign3A_741 : i32
      %sign3A_743 = arith.extui %sign3A_742 : i1 to i32
      %sign3A_744 = arith.constant 0 : i32
      %sign3A_745 = arith.cmpi slt, %select_n3A_738, %sign3A_744 : i32
      %sign3A_746 = arith.extui %sign3A_745 : i1 to i32
      %sign3A_747 = arith.subi %sign3A_743, %sign3A_746 : i32
      %sign3A_748 = arith.constant 0 : i32
      %sign3A_749 = arith.cmpi sgt, %jit3A_739, %sign3A_748 : i32
      %sign3A_750 = arith.extui %sign3A_749 : i1 to i32
      %sign3A_751 = arith.constant 0 : i32
      %sign3A_752 = arith.cmpi slt, %jit3A_739, %sign3A_751 : i32
      %sign3A_753 = arith.extui %sign3A_752 : i1 to i32
      %sign3A_754 = arith.subi %sign3A_750, %sign3A_753 : i32
      %ne3A_755 = arith.cmpi ne, %sign3A_747, %sign3A_754 : i32
      %rem3A_756 = arith.remsi %select_n3A_738, %jit3A_739 : i32
      %ne3A_757 = arith.constant 0 : i32
      %ne3A_758 = arith.cmpi ne, %rem3A_756, %ne3A_757 : i32
      %and3A_759 = arith.andi %ne3A_755, %ne3A_758 : i1
      %sub3A_760 = arith.constant 1 : i32
      %sub3A_761 = arith.subi %div3A_740, %sub3A_760 : i32
      %select_n3A_762 = arith.select %and3A_759, %sub3A_761, %div3A_740 : i32
      %jit3A_763 = arith.constant 4 : i32
      %eq3A_764 = arith.constant 0 : i32
      %eq3A_765 = arith.cmpi eq, %jit3A_763, %eq3A_764 : i32
      %jit3A_766 = arith.constant 1 : i32
      %select_n3A_767 = arith.select %eq3A_765, %jit3A_766, %jit3A_763 : i32
      %rem3A_768 = arith.remsi %select_n3A_738, %select_n3A_767 : i32
      %ne3A_769 = arith.constant 0 : i32
      %ne3A_770 = arith.cmpi ne, %rem3A_768, %ne3A_769 : i32
      %lt3A_771 = arith.constant 0 : i32
      %lt3A_772 = arith.cmpi slt, %rem3A_768, %lt3A_771 : i32
      %lt3A_773 = arith.constant 0 : i32
      %lt3A_774 = arith.cmpi slt, %select_n3A_767, %lt3A_773 : i32
      %ne3A_775 = arith.xori %lt3A_772, %lt3A_774 : i1
      %and3A_776 = arith.andi %ne3A_775, %ne3A_770 : i1
      %add3A_777 = arith.addi %rem3A_768, %select_n3A_767 : i32
      %select_n3A_778 = arith.select %and3A_776, %add3A_777, %rem3A_768 : i32
      %mul3A_779 = arith.constant 4096 : i32
      %mul3A_780 = arith.muli %select_n3A_778, %mul3A_779 : i32
      %multiple_of3A_781 = tpu.assume_multiple %mul3A_780, 4096 : i32
      %jit3A_782 = arith.constant 128 : i32
      %div3A_783 = arith.divsi %multiple_of3A_781, %jit3A_782 : i32
      %sign3A_784 = arith.constant 0 : i32
      %sign3A_785 = arith.cmpi sgt, %multiple_of3A_781, %sign3A_784 : i32
      %sign3A_786 = arith.extui %sign3A_785 : i1 to i32
      %sign3A_787 = arith.constant 0 : i32
      %sign3A_788 = arith.cmpi slt, %multiple_of3A_781, %sign3A_787 : i32
      %sign3A_789 = arith.extui %sign3A_788 : i1 to i32
      %sign3A_790 = arith.subi %sign3A_786, %sign3A_789 : i32
      %sign3A_791 = arith.constant 0 : i32
      %sign3A_792 = arith.cmpi sgt, %jit3A_782, %sign3A_791 : i32
      %sign3A_793 = arith.extui %sign3A_792 : i1 to i32
      %sign3A_794 = arith.constant 0 : i32
      %sign3A_795 = arith.cmpi slt, %jit3A_782, %sign3A_794 : i32
      %sign3A_796 = arith.extui %sign3A_795 : i1 to i32
      %sign3A_797 = arith.subi %sign3A_793, %sign3A_796 : i32
      %ne3A_798 = arith.cmpi ne, %sign3A_790, %sign3A_797 : i32
      %rem3A_799 = arith.remsi %multiple_of3A_781, %jit3A_782 : i32
      %ne3A_800 = arith.constant 0 : i32
      %ne3A_801 = arith.cmpi ne, %rem3A_799, %ne3A_800 : i32
      %and3A_802 = arith.andi %ne3A_798, %ne3A_801 : i1
      %sub3A_803 = arith.constant 1 : i32
      %sub3A_804 = arith.subi %div3A_783, %sub3A_803 : i32
      %select_n3A_805 = arith.select %and3A_802, %sub3A_804, %div3A_783 : i32
      %multiple_of3A_806 = tpu.assume_multiple %select_n3A_805, 32 : i32
      %jit3A_807 = arith.constant 8 : i32
      %div3A_808 = arith.divsi %add3A_722, %jit3A_807 : i32
      %sign3A_809 = arith.constant 0 : i32
      %sign3A_810 = arith.cmpi sgt, %add3A_722, %sign3A_809 : i32
      %sign3A_811 = arith.extui %sign3A_810 : i1 to i32
      %sign3A_812 = arith.constant 0 : i32
      %sign3A_813 = arith.cmpi slt, %add3A_722, %sign3A_812 : i32
      %sign3A_814 = arith.extui %sign3A_813 : i1 to i32
      %sign3A_815 = arith.subi %sign3A_811, %sign3A_814 : i32
      %sign3A_816 = arith.constant 0 : i32
      %sign3A_817 = arith.cmpi sgt, %jit3A_807, %sign3A_816 : i32
      %sign3A_818 = arith.extui %sign3A_817 : i1 to i32
      %sign3A_819 = arith.constant 0 : i32
      %sign3A_820 = arith.cmpi slt, %jit3A_807, %sign3A_819 : i32
      %sign3A_821 = arith.extui %sign3A_820 : i1 to i32
      %sign3A_822 = arith.subi %sign3A_818, %sign3A_821 : i32
      %ne3A_823 = arith.cmpi ne, %sign3A_815, %sign3A_822 : i32
      %rem3A_824 = arith.remsi %add3A_722, %jit3A_807 : i32
      %ne3A_825 = arith.constant 0 : i32
      %ne3A_826 = arith.cmpi ne, %rem3A_824, %ne3A_825 : i32
      %and3A_827 = arith.andi %ne3A_823, %ne3A_826 : i1
      %sub3A_828 = arith.constant 1 : i32
      %sub3A_829 = arith.subi %div3A_808, %sub3A_828 : i32
      %select_n3A_830 = arith.select %and3A_827, %sub3A_829, %div3A_808 : i32
      %jit3A_831 = arith.constant 8 : i32
      %eq3A_832 = arith.constant 0 : i32
      %eq3A_833 = arith.cmpi eq, %jit3A_831, %eq3A_832 : i32
      %jit3A_834 = arith.constant 1 : i32
      %select_n3A_835 = arith.select %eq3A_833, %jit3A_834, %jit3A_831 : i32
      %rem3A_836 = arith.remsi %add3A_722, %select_n3A_835 : i32
      %ne3A_837 = arith.constant 0 : i32
      %ne3A_838 = arith.cmpi ne, %rem3A_836, %ne3A_837 : i32
      %lt3A_839 = arith.constant 0 : i32
      %lt3A_840 = arith.cmpi slt, %rem3A_836, %lt3A_839 : i32
      %lt3A_841 = arith.constant 0 : i32
      %lt3A_842 = arith.cmpi slt, %select_n3A_835, %lt3A_841 : i32
      %ne3A_843 = arith.xori %lt3A_840, %lt3A_842 : i1
      %and3A_844 = arith.andi %ne3A_843, %ne3A_838 : i1
      %add3A_845 = arith.addi %rem3A_836, %select_n3A_835 : i32
      %select_n3A_846 = arith.select %and3A_844, %add3A_845, %rem3A_836 : i32
      %dma_start3A_847 = arith.constant 0 : i32
      %dma_start3A_848 = tpu.memref_slice %arg5[%select_n3A_762, %select_n3A_830, %multiple_of3A_806, %select_n3A_846, %dma_start3A_847] : memref<20x8x128x8x128xf32, #tpu.memory_space<hbm>> -> memref<1x1x32x1x128xf32, #tpu.memory_space<hbm>>
      %dma_start3A_849 = tpu.memref_squeeze %dma_start3A_848 : memref<1x1x32x1x128xf32, #tpu.memory_space<hbm>> -> memref<32x128xf32, #tpu.memory_space<hbm>>
      %dma_start3A_850 = arith.constant 0 : i32
      %dma_start3A_851 = tpu.memref_slice %arg5[%select_n3A_762, %select_n3A_830, %multiple_of3A_806, %select_n3A_846, %dma_start3A_850] : memref<20x8x128x8x128xf32, #tpu.memory_space<hbm>> -> memref<1x1x32x1x128xf32, #tpu.memory_space<hbm>>
      %dma_start3A_852 = tpu.memref_squeeze %dma_start3A_851 : memref<1x1x32x1x128xf32, #tpu.memory_space<hbm>> -> memref<32x128xf32, #tpu.memory_space<hbm>>
      tpu.enqueue_dma source(%arg10 : memref<32x128xf32, #tpu.memory_space<vmem>>) target(%dma_start3A_852 : memref<32x128xf32, #tpu.memory_space<hbm>>) target_semaphore(%arg16 : memref<!tpu.dma_semaphore, #tpu.memory_space<semaphore_mem>>)
      %add3A_853 = arith.constant 2 : i32
      %add3A_854 = arith.addi %add3A_547, %add3A_853 : i32
      %lt3A_855 = arith.constant 160 : i32
      %lt3A_856 = arith.cmpi slt, %add3A_854, %lt3A_855 : i32
      %convert_element_type3A_857 = arith.extui %lt3A_856 : i1 to i32
      %cond3A_858 = arith.constant 0 : i32
      %cond3A_859 = arith.cmpi ne, %convert_element_type3A_857, %cond3A_858 : i32
      scf.if %cond3A_859 {
        %add3A_861 = arith.constant 2 : i32
        %add3A_862 = arith.addi %add3A_547, %add3A_861 : i32
        %jit3A_863 = arith.constant 80 : i32
        %div3A_864 = arith.divsi %add3A_862, %jit3A_863 : i32
        %sign3A_865 = arith.constant 0 : i32
        %sign3A_866 = arith.cmpi sgt, %add3A_862, %sign3A_865 : i32
        %sign3A_867 = arith.extui %sign3A_866 : i1 to i32
        %sign3A_868 = arith.constant 0 : i32
        %sign3A_869 = arith.cmpi slt, %add3A_862, %sign3A_868 : i32
        %sign3A_870 = arith.extui %sign3A_869 : i1 to i32
        %sign3A_871 = arith.subi %sign3A_867, %sign3A_870 : i32
        %sign3A_872 = arith.constant 0 : i32
        %sign3A_873 = arith.cmpi sgt, %jit3A_863, %sign3A_872 : i32
        %sign3A_874 = arith.extui %sign3A_873 : i1 to i32
        %sign3A_875 = arith.constant 0 : i32
        %sign3A_876 = arith.cmpi slt, %jit3A_863, %sign3A_875 : i32
        %sign3A_877 = arith.extui %sign3A_876 : i1 to i32
        %sign3A_878 = arith.subi %sign3A_874, %sign3A_877 : i32
        %ne3A_879 = arith.cmpi ne, %sign3A_871, %sign3A_878 : i32
        %rem3A_880 = arith.remsi %add3A_862, %jit3A_863 : i32
        %ne3A_881 = arith.constant 0 : i32
        %ne3A_882 = arith.cmpi ne, %rem3A_880, %ne3A_881 : i32
        %and3A_883 = arith.andi %ne3A_879, %ne3A_882 : i1
        %sub3A_884 = arith.constant 1 : i32
        %sub3A_885 = arith.subi %div3A_864, %sub3A_884 : i32
        %select_n3A_886 = arith.select %and3A_883, %sub3A_885, %div3A_864 : i32
        %add3A_887 = arith.addi %mul3A_2, %select_n3A_886 : i32
        %jit3A_888 = arith.constant 80 : i32
        %eq3A_889 = arith.constant 0 : i32
        %eq3A_890 = arith.cmpi eq, %jit3A_888, %eq3A_889 : i32
        %jit3A_891 = arith.constant 1 : i32
        %select_n3A_892 = arith.select %eq3A_890, %jit3A_891, %jit3A_888 : i32
        %rem3A_893 = arith.remsi %add3A_862, %select_n3A_892 : i32
        %ne3A_894 = arith.constant 0 : i32
        %ne3A_895 = arith.cmpi ne, %rem3A_893, %ne3A_894 : i32
        %lt3A_896 = arith.constant 0 : i32
        %lt3A_897 = arith.cmpi slt, %rem3A_893, %lt3A_896 : i32
        %lt3A_898 = arith.constant 0 : i32
        %lt3A_899 = arith.cmpi slt, %select_n3A_892, %lt3A_898 : i32
        %ne3A_900 = arith.xori %lt3A_897, %lt3A_899 : i1
        %and3A_901 = arith.andi %ne3A_900, %ne3A_895 : i1
        %add3A_902 = arith.addi %rem3A_893, %select_n3A_892 : i32
        %select_n3A_903 = arith.select %and3A_901, %add3A_902, %rem3A_893 : i32
        %jit3A_904 = arith.constant 4 : i32
        %div3A_905 = arith.divsi %select_n3A_903, %jit3A_904 : i32
        %sign3A_906 = arith.constant 0 : i32
        %sign3A_907 = arith.cmpi sgt, %select_n3A_903, %sign3A_906 : i32
        %sign3A_908 = arith.extui %sign3A_907 : i1 to i32
        %sign3A_909 = arith.constant 0 : i32
        %sign3A_910 = arith.cmpi slt, %select_n3A_903, %sign3A_909 : i32
        %sign3A_911 = arith.extui %sign3A_910 : i1 to i32
        %sign3A_912 = arith.subi %sign3A_908, %sign3A_911 : i32
        %sign3A_913 = arith.constant 0 : i32
        %sign3A_914 = arith.cmpi sgt, %jit3A_904, %sign3A_913 : i32
        %sign3A_915 = arith.extui %sign3A_914 : i1 to i32
        %sign3A_916 = arith.constant 0 : i32
        %sign3A_917 = arith.cmpi slt, %jit3A_904, %sign3A_916 : i32
        %sign3A_918 = arith.extui %sign3A_917 : i1 to i32
        %sign3A_919 = arith.subi %sign3A_915, %sign3A_918 : i32
        %ne3A_920 = arith.cmpi ne, %sign3A_912, %sign3A_919 : i32
        %rem3A_921 = arith.remsi %select_n3A_903, %jit3A_904 : i32
        %ne3A_922 = arith.constant 0 : i32
        %ne3A_923 = arith.cmpi ne, %rem3A_921, %ne3A_922 : i32
        %and3A_924 = arith.andi %ne3A_920, %ne3A_923 : i1
        %sub3A_925 = arith.constant 1 : i32
        %sub3A_926 = arith.subi %div3A_905, %sub3A_925 : i32
        %select_n3A_927 = arith.select %and3A_924, %sub3A_926, %div3A_905 : i32
        %jit3A_928 = arith.constant 4 : i32
        %eq3A_929 = arith.constant 0 : i32
        %eq3A_930 = arith.cmpi eq, %jit3A_928, %eq3A_929 : i32
        %jit3A_931 = arith.constant 1 : i32
        %select_n3A_932 = arith.select %eq3A_930, %jit3A_931, %jit3A_928 : i32
        %rem3A_933 = arith.remsi %select_n3A_903, %select_n3A_932 : i32
        %ne3A_934 = arith.constant 0 : i32
        %ne3A_935 = arith.cmpi ne, %rem3A_933, %ne3A_934 : i32
        %lt3A_936 = arith.constant 0 : i32
        %lt3A_937 = arith.cmpi slt, %rem3A_933, %lt3A_936 : i32
        %lt3A_938 = arith.constant 0 : i32
        %lt3A_939 = arith.cmpi slt, %select_n3A_932, %lt3A_938 : i32
        %ne3A_940 = arith.xori %lt3A_937, %lt3A_939 : i1
        %and3A_941 = arith.andi %ne3A_940, %ne3A_935 : i1
        %add3A_942 = arith.addi %rem3A_933, %select_n3A_932 : i32
        %select_n3A_943 = arith.select %and3A_941, %add3A_942, %rem3A_933 : i32
        %mul3A_944 = arith.constant 4096 : i32
        %mul3A_945 = arith.muli %select_n3A_943, %mul3A_944 : i32
        %multiple_of3A_946 = tpu.assume_multiple %mul3A_945, 4096 : i32
        %dma_start3A_947 = tpu.memref_slice %arg2[%select_n3A_927, %multiple_of3A_946] : memref<20x16384xi32, #tpu.memory_space<hbm>> -> memref<1x4096xi32, #tpu.memory_space<hbm>>
        %dma_start3A_948 = tpu.memref_squeeze %dma_start3A_947 : memref<1x4096xi32, #tpu.memory_space<hbm>> -> memref<4096xi32, #tpu.memory_space<hbm>>
        %dma_start3A_949 = tpu.memref_slice %arg2[%select_n3A_927, %multiple_of3A_946] : memref<20x16384xi32, #tpu.memory_space<hbm>> -> memref<1x4096xi32, #tpu.memory_space<hbm>>
        %dma_start3A_950 = tpu.memref_squeeze %dma_start3A_949 : memref<1x4096xi32, #tpu.memory_space<hbm>> -> memref<4096xi32, #tpu.memory_space<hbm>>
        tpu.enqueue_dma source(%dma_start3A_950 : memref<4096xi32, #tpu.memory_space<hbm>>) target(%arg8 : memref<4096xi32, #tpu.memory_space<vmem>>) target_semaphore(%arg14 : memref<!tpu.dma_semaphore, #tpu.memory_space<semaphore_mem>>)
        %mul3A_951 = arith.constant 64 : i32
        %mul3A_952 = arith.muli %select_n3A_927, %mul3A_951 : i32
        %add3A_953 = arith.addi %mul3A_952, %add3A_887 : i32
        %mul3A_954 = arith.constant 16384 : i32
        %mul3A_955 = arith.muli %add3A_953, %mul3A_954 : i32
        %add3A_956 = arith.addi %mul3A_955, %multiple_of3A_946 : i32
        %jit3A_957 = arith.constant 32 : i32
        %div3A_958 = arith.divsi %add3A_956, %jit3A_957 : i32
        %sign3A_959 = arith.constant 0 : i32
        %sign3A_960 = arith.cmpi sgt, %add3A_956, %sign3A_959 : i32
        %sign3A_961 = arith.extui %sign3A_960 : i1 to i32
        %sign3A_962 = arith.constant 0 : i32
        %sign3A_963 = arith.cmpi slt, %add3A_956, %sign3A_962 : i32
        %sign3A_964 = arith.extui %sign3A_963 : i1 to i32
        %sign3A_965 = arith.subi %sign3A_961, %sign3A_964 : i32
        %sign3A_966 = arith.constant 0 : i32
        %sign3A_967 = arith.cmpi sgt, %jit3A_957, %sign3A_966 : i32
        %sign3A_968 = arith.extui %sign3A_967 : i1 to i32
        %sign3A_969 = arith.constant 0 : i32
        %sign3A_970 = arith.cmpi slt, %jit3A_957, %sign3A_969 : i32
        %sign3A_971 = arith.extui %sign3A_970 : i1 to i32
        %sign3A_972 = arith.subi %sign3A_968, %sign3A_971 : i32
        %ne3A_973 = arith.cmpi ne, %sign3A_965, %sign3A_972 : i32
        %rem3A_974 = arith.remsi %add3A_956, %jit3A_957 : i32
        %ne3A_975 = arith.constant 0 : i32
        %ne3A_976 = arith.cmpi ne, %rem3A_974, %ne3A_975 : i32
        %and3A_977 = arith.andi %ne3A_973, %ne3A_976 : i1
        %sub3A_978 = arith.constant 1 : i32
        %sub3A_979 = arith.subi %div3A_958, %sub3A_978 : i32
        %select_n3A_980 = arith.select %and3A_977, %sub3A_979, %div3A_958 : i32
        %multiple_of3A_981 = tpu.assume_multiple %select_n3A_980, 128 : i32
        %dma_start3A_982 = tpu.memref_slice %arg4[%multiple_of3A_981] : memref<655360xi32, #tpu.memory_space<hbm>> -> memref<128xi32, #tpu.memory_space<hbm>>
        %dma_start3A_983 = tpu.memref_slice %arg4[%multiple_of3A_981] : memref<655360xi32, #tpu.memory_space<hbm>> -> memref<128xi32, #tpu.memory_space<hbm>>
        tpu.enqueue_dma source(%dma_start3A_983 : memref<128xi32, #tpu.memory_space<hbm>>) target(%arg12 : memref<128xi32, #tpu.memory_space<vmem>>) target_semaphore(%arg18 : memref<!tpu.dma_semaphore, #tpu.memory_space<semaphore_mem>>)
      } else {
      }
      %scan3A_860 = arith.constant 0 : i32
      scf.yield %scan3A_860 : i32
    }
    %scan3A_80 = arith.constant 80 : i32
    %add3A_81 = arith.constant 1 : i32
    %add3A_82 = arith.addi %mul3A_2, %add3A_81 : i32
    %multiple_of3A_83 = arith.constant 8192 : i32
    %multiple_of3A_84 = tpu.assume_multiple %multiple_of3A_83, 4096 : i32
    %jit3A_85 = arith.constant 128 : i32
    %div3A_86 = arith.divsi %multiple_of3A_84, %jit3A_85 : i32
    %sign3A_87 = arith.constant 0 : i32
    %sign3A_88 = arith.cmpi sgt, %multiple_of3A_84, %sign3A_87 : i32
    %sign3A_89 = arith.extui %sign3A_88 : i1 to i32
    %sign3A_90 = arith.constant 0 : i32
    %sign3A_91 = arith.cmpi slt, %multiple_of3A_84, %sign3A_90 : i32
    %sign3A_92 = arith.extui %sign3A_91 : i1 to i32
    %sign3A_93 = arith.subi %sign3A_89, %sign3A_92 : i32
    %sign3A_94 = arith.constant 0 : i32
    %sign3A_95 = arith.cmpi sgt, %jit3A_85, %sign3A_94 : i32
    %sign3A_96 = arith.extui %sign3A_95 : i1 to i32
    %sign3A_97 = arith.constant 0 : i32
    %sign3A_98 = arith.cmpi slt, %jit3A_85, %sign3A_97 : i32
    %sign3A_99 = arith.extui %sign3A_98 : i1 to i32
    %sign3A_100 = arith.subi %sign3A_96, %sign3A_99 : i32
    %ne3A_101 = arith.cmpi ne, %sign3A_93, %sign3A_100 : i32
    %rem3A_102 = arith.remsi %multiple_of3A_84, %jit3A_85 : i32
    %ne3A_103 = arith.constant 0 : i32
    %ne3A_104 = arith.cmpi ne, %rem3A_102, %ne3A_103 : i32
    %and3A_105 = arith.andi %ne3A_101, %ne3A_104 : i1
    %sub3A_106 = arith.constant 1 : i32
    %sub3A_107 = arith.subi %div3A_86, %sub3A_106 : i32
    %select_n3A_108 = arith.select %and3A_105, %sub3A_107, %div3A_86 : i32
    %multiple_of3A_109 = tpu.assume_multiple %select_n3A_108, 32 : i32
    %jit3A_110 = arith.constant 8 : i32
    %div3A_111 = arith.divsi %add3A_82, %jit3A_110 : i32
    %sign3A_112 = arith.constant 0 : i32
    %sign3A_113 = arith.cmpi sgt, %add3A_82, %sign3A_112 : i32
    %sign3A_114 = arith.extui %sign3A_113 : i1 to i32
    %sign3A_115 = arith.constant 0 : i32
    %sign3A_116 = arith.cmpi slt, %add3A_82, %sign3A_115 : i32
    %sign3A_117 = arith.extui %sign3A_116 : i1 to i32
    %sign3A_118 = arith.subi %sign3A_114, %sign3A_117 : i32
    %sign3A_119 = arith.constant 0 : i32
    %sign3A_120 = arith.cmpi sgt, %jit3A_110, %sign3A_119 : i32
    %sign3A_121 = arith.extui %sign3A_120 : i1 to i32
    %sign3A_122 = arith.constant 0 : i32
    %sign3A_123 = arith.cmpi slt, %jit3A_110, %sign3A_122 : i32
    %sign3A_124 = arith.extui %sign3A_123 : i1 to i32
    %sign3A_125 = arith.subi %sign3A_121, %sign3A_124 : i32
    %ne3A_126 = arith.cmpi ne, %sign3A_118, %sign3A_125 : i32
    %rem3A_127 = arith.remsi %add3A_82, %jit3A_110 : i32
    %ne3A_128 = arith.constant 0 : i32
    %ne3A_129 = arith.cmpi ne, %rem3A_127, %ne3A_128 : i32
    %and3A_130 = arith.andi %ne3A_126, %ne3A_129 : i1
    %sub3A_131 = arith.constant 1 : i32
    %sub3A_132 = arith.subi %div3A_111, %sub3A_131 : i32
    %select_n3A_133 = arith.select %and3A_130, %sub3A_132, %div3A_111 : i32
    %jit3A_134 = arith.constant 8 : i32
    %eq3A = arith.constant 0 : i32
    %eq3A_135 = arith.cmpi eq, %jit3A_134, %eq3A : i32
    %jit3A_136 = arith.constant 1 : i32
    %select_n3A_137 = arith.select %eq3A_135, %jit3A_136, %jit3A_134 : i32
    %rem3A_138 = arith.remsi %add3A_82, %select_n3A_137 : i32
    %ne3A_139 = arith.constant 0 : i32
    %ne3A_140 = arith.cmpi ne, %rem3A_138, %ne3A_139 : i32
    %lt3A = arith.constant 0 : i32
    %lt3A_141 = arith.cmpi slt, %rem3A_138, %lt3A : i32
    %lt3A_142 = arith.constant 0 : i32
    %lt3A_143 = arith.cmpi slt, %select_n3A_137, %lt3A_142 : i32
    %ne3A_144 = arith.xori %lt3A_141, %lt3A_143 : i1
    %and3A_145 = arith.andi %ne3A_144, %ne3A_140 : i1
    %add3A_146 = arith.addi %rem3A_138, %select_n3A_137 : i32
    %select_n3A_147 = arith.select %and3A_145, %add3A_146, %rem3A_138 : i32
    %dma_wait3A = arith.constant 19 : i32
    %dma_wait3A_148 = arith.constant 0 : i32
    %dma_wait3A_149 = tpu.memref_slice %arg5[%dma_wait3A, %select_n3A_133, %multiple_of3A_109, %select_n3A_147, %dma_wait3A_148] : memref<20x8x128x8x128xf32, #tpu.memory_space<hbm>> -> memref<1x1x32x1x128xf32, #tpu.memory_space<hbm>>
    %dma_wait3A_150 = tpu.memref_squeeze %dma_wait3A_149 : memref<1x1x32x1x128xf32, #tpu.memory_space<hbm>> -> memref<32x128xf32, #tpu.memory_space<hbm>>
    %dma_wait3A_151 = arith.constant 0 : i32
    %dma_wait3A_152 = tpu.memref_slice %arg5[%dma_wait3A, %select_n3A_133, %multiple_of3A_109, %select_n3A_147, %dma_wait3A_151] : memref<20x8x128x8x128xf32, #tpu.memory_space<hbm>> -> memref<1x1x32x1x128xf32, #tpu.memory_space<hbm>>
    %dma_wait3A_153 = tpu.memref_squeeze %dma_wait3A_152 : memref<1x1x32x1x128xf32, #tpu.memory_space<hbm>> -> memref<32x128xf32, #tpu.memory_space<hbm>>
    tpu.wait_dma2 semaphore(%arg15 : memref<!tpu.dma_semaphore, #tpu.memory_space<semaphore_mem>>) src(%arg9 : memref<32x128xf32, #tpu.memory_space<vmem>>) dst(%dma_wait3A_153 : memref<32x128xf32, #tpu.memory_space<hbm>>)
    %add3A_154 = arith.constant 1 : i32
    %add3A_155 = arith.addi %mul3A_2, %add3A_154 : i32
    %multiple_of3A_156 = arith.constant 12288 : i32
    %multiple_of3A_157 = tpu.assume_multiple %multiple_of3A_156, 4096 : i32
    %jit3A_158 = arith.constant 128 : i32
    %div3A_159 = arith.divsi %multiple_of3A_157, %jit3A_158 : i32
    %sign3A_160 = arith.constant 0 : i32
    %sign3A_161 = arith.cmpi sgt, %multiple_of3A_157, %sign3A_160 : i32
    %sign3A_162 = arith.extui %sign3A_161 : i1 to i32
    %sign3A_163 = arith.constant 0 : i32
    %sign3A_164 = arith.cmpi slt, %multiple_of3A_157, %sign3A_163 : i32
    %sign3A_165 = arith.extui %sign3A_164 : i1 to i32
    %sign3A_166 = arith.subi %sign3A_162, %sign3A_165 : i32
    %sign3A_167 = arith.constant 0 : i32
    %sign3A_168 = arith.cmpi sgt, %jit3A_158, %sign3A_167 : i32
    %sign3A_169 = arith.extui %sign3A_168 : i1 to i32
    %sign3A_170 = arith.constant 0 : i32
    %sign3A_171 = arith.cmpi slt, %jit3A_158, %sign3A_170 : i32
    %sign3A_172 = arith.extui %sign3A_171 : i1 to i32
    %sign3A_173 = arith.subi %sign3A_169, %sign3A_172 : i32
    %ne3A_174 = arith.cmpi ne, %sign3A_166, %sign3A_173 : i32
    %rem3A_175 = arith.remsi %multiple_of3A_157, %jit3A_158 : i32
    %ne3A_176 = arith.constant 0 : i32
    %ne3A_177 = arith.cmpi ne, %rem3A_175, %ne3A_176 : i32
    %and3A_178 = arith.andi %ne3A_174, %ne3A_177 : i1
    %sub3A_179 = arith.constant 1 : i32
    %sub3A_180 = arith.subi %div3A_159, %sub3A_179 : i32
    %select_n3A_181 = arith.select %and3A_178, %sub3A_180, %div3A_159 : i32
    %multiple_of3A_182 = tpu.assume_multiple %select_n3A_181, 32 : i32
    %jit3A_183 = arith.constant 8 : i32
    %div3A_184 = arith.divsi %add3A_155, %jit3A_183 : i32
    %sign3A_185 = arith.constant 0 : i32
    %sign3A_186 = arith.cmpi sgt, %add3A_155, %sign3A_185 : i32
    %sign3A_187 = arith.extui %sign3A_186 : i1 to i32
    %sign3A_188 = arith.constant 0 : i32
    %sign3A_189 = arith.cmpi slt, %add3A_155, %sign3A_188 : i32
    %sign3A_190 = arith.extui %sign3A_189 : i1 to i32
    %sign3A_191 = arith.subi %sign3A_187, %sign3A_190 : i32
    %sign3A_192 = arith.constant 0 : i32
    %sign3A_193 = arith.cmpi sgt, %jit3A_183, %sign3A_192 : i32
    %sign3A_194 = arith.extui %sign3A_193 : i1 to i32
    %sign3A_195 = arith.constant 0 : i32
    %sign3A_196 = arith.cmpi slt, %jit3A_183, %sign3A_195 : i32
    %sign3A_197 = arith.extui %sign3A_196 : i1 to i32
    %sign3A_198 = arith.subi %sign3A_194, %sign3A_197 : i32
    %ne3A_199 = arith.cmpi ne, %sign3A_191, %sign3A_198 : i32
    %rem3A_200 = arith.remsi %add3A_155, %jit3A_183 : i32
    %ne3A_201 = arith.constant 0 : i32
    %ne3A_202 = arith.cmpi ne, %rem3A_200, %ne3A_201 : i32
    %and3A_203 = arith.andi %ne3A_199, %ne3A_202 : i1
    %sub3A_204 = arith.constant 1 : i32
    %sub3A_205 = arith.subi %div3A_184, %sub3A_204 : i32
    %select_n3A_206 = arith.select %and3A_203, %sub3A_205, %div3A_184 : i32
    %jit3A_207 = arith.constant 8 : i32
    %eq3A_208 = arith.constant 0 : i32
    %eq3A_209 = arith.cmpi eq, %jit3A_207, %eq3A_208 : i32
    %jit3A_210 = arith.constant 1 : i32
    %select_n3A_211 = arith.select %eq3A_209, %jit3A_210, %jit3A_207 : i32
    %rem3A_212 = arith.remsi %add3A_155, %select_n3A_211 : i32
    %ne3A_213 = arith.constant 0 : i32
    %ne3A_214 = arith.cmpi ne, %rem3A_212, %ne3A_213 : i32
    %lt3A_215 = arith.constant 0 : i32
    %lt3A_216 = arith.cmpi slt, %rem3A_212, %lt3A_215 : i32
    %lt3A_217 = arith.constant 0 : i32
    %lt3A_218 = arith.cmpi slt, %select_n3A_211, %lt3A_217 : i32
    %ne3A_219 = arith.xori %lt3A_216, %lt3A_218 : i1
    %and3A_220 = arith.andi %ne3A_219, %ne3A_214 : i1
    %add3A_221 = arith.addi %rem3A_212, %select_n3A_211 : i32
    %select_n3A_222 = arith.select %and3A_220, %add3A_221, %rem3A_212 : i32
    %dma_wait3A_223 = arith.constant 19 : i32
    %dma_wait3A_224 = arith.constant 0 : i32
    %dma_wait3A_225 = tpu.memref_slice %arg5[%dma_wait3A_223, %select_n3A_206, %multiple_of3A_182, %select_n3A_222, %dma_wait3A_224] : memref<20x8x128x8x128xf32, #tpu.memory_space<hbm>> -> memref<1x1x32x1x128xf32, #tpu.memory_space<hbm>>
    %dma_wait3A_226 = tpu.memref_squeeze %dma_wait3A_225 : memref<1x1x32x1x128xf32, #tpu.memory_space<hbm>> -> memref<32x128xf32, #tpu.memory_space<hbm>>
    %dma_wait3A_227 = arith.constant 0 : i32
    %dma_wait3A_228 = tpu.memref_slice %arg5[%dma_wait3A_223, %select_n3A_206, %multiple_of3A_182, %select_n3A_222, %dma_wait3A_227] : memref<20x8x128x8x128xf32, #tpu.memory_space<hbm>> -> memref<1x1x32x1x128xf32, #tpu.memory_space<hbm>>
    %dma_wait3A_229 = tpu.memref_squeeze %dma_wait3A_228 : memref<1x1x32x1x128xf32, #tpu.memory_space<hbm>> -> memref<32x128xf32, #tpu.memory_space<hbm>>
    tpu.wait_dma2 semaphore(%arg16 : memref<!tpu.dma_semaphore, #tpu.memory_space<semaphore_mem>>) src(%arg10 : memref<32x128xf32, #tpu.memory_space<vmem>>) dst(%dma_wait3A_229 : memref<32x128xf32, #tpu.memory_space<hbm>>)
    return
  }
}

</mosaic_0001>

<sc_bundles>
// kernel: kernel.3.cloned.1.call-start
scs
__scs_entry_jumppad:
0x0: {  	(pc) =	sbr.rel $0x88, $3  }
0x1: {  	(tag) =	ssettag $0x0;
	lr =	simm.s32 $0x1  }
0x2: {  	[smem:$0x3F9F] =	sst lr;
	_ =	strace $0xD0000000  }
0x3: {  	_ = 	snop  }
0x4: {  	_ = 	snop  }
0x5: {  	_ = 	snop  }
0x6: {  	_ = 	snop  }
0x7: {  	_ = 	snop  }
__scs_overlays_trampoline_lowered:
0x8: {  	[smem:$0x3FAE] =	sst s0  }
0x9: {  	[smem:$0x3FAF] =	sst s1  }
0xa: {  	[smem:$0x3FB0] =	sst s2  }
0xb: {  	[smem:$0x3FB1] =	sst s3  }
0xc: {  	[smem:$0x3FB2] =	sst s4  }
0xd: {  	[smem:$0x3FB3] =	sst s5  }
0xe: {  	[smem:$0x3FB4] =	sst s6  }
0xf: {  	[smem:$0x3FB5] =	sst s7  }
0x10: {  	[smem:$0x3FB6] =	sst s8  }
0x11: {  	[smem:$0x3FB7] =	sst s9;
	s0 =	simm.s32 @!p0 $0x0  }
0x12: {  	s1 =	sld [smem:$0x3F9D];
	s0 =	simm.s32 @p0 $0x1  }
0x13: {  	[smem:$0x3FB8] =	sst s0;
	s0 =	simm.s32 @!p1 $0x0  }
0x14: {  	s2 =	sld [smem:$0x3F9C];
	s0 =	simm.s32 @p1 $0x1  }
0x15: {  	[smem:$0x3FB9] =	sst s0;
	s0 =	simm.s32 @!p2 $0x0  }
0x16: {  	s3 =	sld [smem:$0x3FDB];
	s0 =	simm.s32 @p2 $0x1  }
0x17: {  	s4 =	simm.s32 $0x1BF5;
	[smem:$0x3FBB] =	sst s0  }
0x18: {  	s0 =	sld [smem:$0x3F9E];
	_ =	swait.ge [sflag:s4], $0x0  }
0x19: {  	s7 =	sld [smem:$0x3F9F]  }
0x1a: {  	s8 =	sadd.s32 $0xFFFFE003, lr  }
0x1b: {  	s9 =	sadd.s32 $0xFFFFFEF7, lr;
	s5 =	simm.s32 $0xFFFFFFFF;
	p2 =	slt.u32 s8, $0xFFFFF086  }
0x1c: {  	p1 =	slt.u32 s9, $0xF7A;
	s5 =	simm.s32 @!p2 $0x0  }
0x1d: {  	s5 =	simm.s32 @p1 $0x1;
	p0 =	seq.s32 s7, s2  }
0x1e: {  	s7 =	smul.u32 @!p0 $0xF7A, s2;
	p2 =	seq.s32 @!p0 s5, $0x0  }
0x1f: {  	s9 =	smul.u32 $0xF7A, s1;
	s8 =	simm.s32 @!p0 $0x1BF5;
	p2 =	por !p2, p0  }
0x20: {  	[sflag:s8] =	ssyncset.s32 @!p0 $0xFFFFF086;
	s6 =	sadd.s32 @!p0 s3, s7;
	s7 =	simm.s32 @!p0 $0x108  }
0x21: {  	s3 =	sadd.s32 s3, s9;
	s6 =	sadd.s32 @!p0 $0x88, s6;
	s7 =	simm.s32 @p2 $0x1082  }
0x22: {  	[simem:s7], [sflag:s8] =	dma.local @!p0 [hbm:s6], $0xF7A  }
0x23: {  	s9 =	sor.u32 $0xD0000000, s2;
	s6 =	simm.s32 $0x108;
	_ =	swait.ge @!p0 [sflag:s8], $0x0  }
0x24: {  	s3 =	sadd.s32 $0x88, s3;
	s6 =	simm.s32 @!p1 $0x1082;
	[sflag:s4] =	ssyncset.s32 $0xFFFFF086  }
0x25: {  	[simem:s6], [sflag:s4] =	dma.local [hbm:s3], $0xF7A  }
0x26: {  	[smem:$0x3F9F] =	sst s1;
	(tag) =	ssettag s2;
	_ =	strace s9  }
0x27: {  	s1 =	sld [smem:$0x3FAF]  }
0x28: {  	s2 =	sld [smem:$0x3FB0]  }
0x29: {  	s4 =	sld [smem:$0x3FB2]  }
0x2a: {  	p0 =	seq.s32 s5, $0x0;
	s5 =	sld [smem:$0x3FB3]  }
0x2b: {  	s6 =	sld [smem:$0x3FB4]  }
0x2c: {  	s7 =	sld [smem:$0x3FB5]  }
0x2d: {  	s3 =	simm.s32 $0x108;
	s8 =	sld [smem:$0x3FB6]  }
0x2e: {  	s3 =	simm.s32 @!p0 $0x1082;
	s9 =	sld [smem:$0x3FB7]  }
0x2f: {  	lr =	sadd.s32 s0, s3;
	s0 =	sld [smem:$0x3FAE]  }
0x30: {  	s3 =	sld [smem:$0x3FB1]  }
0x31: {  	[smem:$0x3FBA] =	sst s10  }
0x32: {  	s10 =	sld [smem:$0x3FB8];
	_ =	sdelay $0x3  }
0x33: {  	p0 =	seq.s32 s10, $0x1;
	s10 =	sld [smem:$0x3FBA];
	_ =	sdelay $0x3  }
0x34: {  	[smem:$0x3FBA] =	sst s10  }
0x35: {  	s10 =	sld [smem:$0x3FB9];
	_ =	sdelay $0x3  }
0x36: {  	p1 =	seq.s32 s10, $0x1;
	s10 =	sld [smem:$0x3FBA];
	_ =	sdelay $0x3  }
0x37: {  	[smem:$0x3FBA] =	sst s10  }
0x38: {  	s10 =	sld [smem:$0x3FBB]  }
0x39: {  	_ = 	snop;
	(pc) =	sbr.ind lr, $3  }
0x3a: {  	_ = 	snop  }
0x3b: {  	_ = 	snop  }
0x3c: {  	p2 =	seq.s32 s10, $0x1;
	s10 =	sld [smem:$0x3FBA]  }
0x3d: {  	_ =	shalt  }
0x3e: {  	_ =	shalt  }
0x3f: {  	_ =	shalt  }
0x40: {  	_ =	shalt  }
0x41: {  	_ =	shalt  }
0x42: {  	_ =	shalt  }
0x43: {  	_ =	shalt  }
0x44: {  	_ =	shalt  }
0x45: {  	_ =	shalt  }
0x46: {  	_ =	shalt  }
0x47: {  	_ =	shalt  }
0x48: {  	_ =	shalt  }
0x49: {  	_ =	shalt  }
0x4a: {  	_ =	shalt  }
0x4b: {  	_ =	shalt  }
0x4c: {  	_ =	shalt  }
0x4d: {  	_ =	shalt  }
0x4e: {  	_ =	shalt  }
0x4f: {  	_ =	shalt  }
0x50: {  	_ =	shalt  }
0x51: {  	_ =	shalt  }
0x52: {  	_ =	shalt  }
0x53: {  	_ =	shalt  }
0x54: {  	_ =	shalt  }
0x55: {  	_ =	shalt  }
0x56: {  	_ =	shalt  }
0x57: {  	_ =	shalt  }
0x58: {  	_ =	shalt  }
0x59: {  	_ =	shalt  }
0x5a: {  	_ =	shalt  }
0x5b: {  	_ =	shalt  }
0x5c: {  	_ =	shalt  }
0x5d: {  	_ =	shalt  }
0x5e: {  	_ =	shalt  }
0x5f: {  	_ =	shalt  }
0x60: {  	_ =	shalt  }
0x61: {  	_ =	shalt  }
0x62: {  	_ =	shalt  }
0x63: {  	_ =	shalt  }
0x64: {  	_ =	shalt  }
0x65: {  	_ =	shalt  }
0x66: {  	_ =	shalt  }
0x67: {  	_ =	shalt  }
0x68: {  	_ =	shalt  }
0x69: {  	_ =	shalt  }
0x6a: {  	_ =	shalt  }
0x6b: {  	_ =	shalt  }
0x6c: {  	_ =	shalt  }
0x6d: {  	_ =	shalt  }
0x6e: {  	_ =	shalt  }
0x6f: {  	_ =	shalt  }
0x70: {  	_ =	shalt  }
0x71: {  	_ =	shalt  }
0x72: {  	_ =	shalt  }
0x73: {  	_ =	shalt  }
0x74: {  	_ =	shalt  }
0x75: {  	_ =	shalt  }
0x76: {  	_ =	shalt  }
0x77: {  	_ =	shalt  }
0x78: {  	_ =	shalt  }
0x79: {  	_ =	shalt  }
0x7a: {  	_ =	shalt  }
0x7b: {  	_ =	shalt  }
0x7c: {  	_ =	shalt  }
0x7d: {  	_ =	shalt  }
0x7e: {  	_ =	shalt  }
0x7f: {  	_ =	shalt  }
0x80: {  	_ =	shalt  }
0x81: {  	_ =	shalt  }
0x82: {  	_ =	shalt  }
0x83: {  	_ =	shalt  }
0x84: {  	_ =	shalt  }
0x85: {  	_ =	shalt  }
0x86: {  	_ =	shalt  }
0x87: {  	_ =	shalt  }
.Lfunc_end0:
.L_simem_size_0:
called_computation_lowered:
.L_overlay_start_0:
0x88: {  	s2 =	sld [smem:$0x3FD9]  }
0x89: {  	s3 =	sld [smem:$0x3FFE];
	_ =	sdelay $0x1  }
0x8a: {  	s1 =	srdreg.scid  }
0x8b: {  	s0 =	sand.u32 $0x1, s1  }
0x8c: {  	s17 =	sshll.u32 s0, $0xA;
	s2 =	sadd.s32 s3, s2  }
0x8d: {  	s2 =	sadd.s32 s2, s17  }
0x8e: {  	[smem:$0x3FC6] =	sst s2  }
0x8f: {  	_ = 	snop  }
0x90: {  	s2 =	sld [smem:$0x3FD0];
	(tm) =	ssettm $0x1  }
0x91: {  	s18 =	sld [smem:$0x3FFB];
	_ =	sdelay $0x3  }
0x92: {  	_ =	strace s18  }
0x93: {  	s3 =	sld [smem:$0x3FFC];
	_ =	sdelay $0x3  }
0x94: {  	_ =	strace s3  }
0x95: {  	s3 =	sld [smem:$0x3FFD];
	_ =	sdelay $0x3  }
0x96: {  	_ =	strace s3  }
0x97: {  	_ =	strace $0x8FFFFFFF  }
0x98: {  	s19 =	sld [smem:$0x3FDB];
	_ =	sdelay $0x1  }
0x99: {  	s4 =	simm.s32 $_scs_section_size  }
0x9a: {  	s5 =	simm.s32 $_size__tile_overlayer_lowered;
	s6 =	simm.s32 $_tile_overlayer_lowered  }
0x9b: {  	s22 =	simm.s32 $0x1BFF;
	s21 =	sshll.u32 s6, $0x1;
	s3 =	sadd.s32 s4, s19  }
0x9c: {  	s7 =	simm.s32 $0x0;
	s20 =	sshll.u32 s5, $0x1;
	s5 =	sadd.s32 s21, s3  }
0x9d: {  	[timem:s7], [sflag:s22] =	dma.local [hbm:s5], s20  }
0x9e: {  	_ =	swait.ge [sflag:s22], s20  }
0x9f: {  	s4 =	ssub.s32 $0x0, s20;
	[sflag:s22] =	ssyncset.done $0x0  }
0xa0: {  	[sflag:s22] =	ssyncadd.s32 s4;
	_ =	sdelay $0x1  }
0xa1: {  	s23 =	simm.s32 $0x1B8B  }
0xa2: {  	_ =	swait.ge [sflag:s23], $0x1  }
0xa3: {  	[sflag:s23] =	ssyncset.done $0x0  }
0xa4: {  	s25 =	simm.s32 $0x1B8E;
	s24 =	sld [smem:$0x3FFE];
	[sflag:s23] =	ssyncadd.s32 $0xFFFFFFFF  }
0xa5: {  	s26 =	simm.s32 $execute0_lowered;
	[smem:$0x3FD2] =	sst s25  }
0xa6: {  	s5 =	sshll.u32 s26, $0x1;
	_ =	strace $0x80000046;
	[dreg:$0x1] =	wrdreg $0xFFFFFFFF  }
0xa7: {  	s28 =	simm.s32 $_size_execute0_lowered;
	s3 =	sadd.s32 s3, s5;
	[dreg:$0x0] =	wrdreg $0x0  }
0xa8: {  	s5 =	sshll.u32 s28, $0x1;
	[dreg:$0x2] =	wrdreg s3  }
0xa9: {  	[dreg:$0x3] =	wrdreg s5  }
0xaa: {  	[dreg:$0x4] =	wrdreg $0xC0  }
0xab: {  	_ =	task [dreg:s7], $0x5FFFF  }
0xac: {  	[dreg:$0x1] =	wrdreg $0xFFFFFFFF  }
0xad: {  	[dreg:$0x0] =	wrdreg $0x60  }
0xae: {  	[dreg:$0x2] =	wrdreg s24  }
0xaf: {  	[dreg:$0x3] =	wrdreg s2  }
0xb0: {  	[dreg:$0x4] =	wrdreg $0x9  }
0xb1: {  	_ =	task.clear_ibuf [dreg:s7], $0x5FFFF;
	_ =	strace $0x90000046  }
0xb2: {  	s29 =	simm.s32 $0x9;
	_ =	strace $0x80000048  }
0xb3: {  	_ =	swait.ge [sflag:s29], $0x1  }
0xb4: {  	[sflag:s29] =	ssyncadd.s32 $0xFFFFFFFF  }
0xb5: {  	_ =	strace $0x90000048  }
0xb6: {  	_ =	sfence  }
0xb7: {  	s30 =	sld [smem:$0x0];
	_ =	sdelay $0x2  }
0xb8: {  	s31 =	sshll.u32 s1, $0xD;
	s1 =	sshrl.u32 s1, $0x2  }
0xb9: {  	s3 =	sand.u32 $0x4000, s31;
	s1 =	sadd.s32 s1, s30  }
0xba: {  	s0 =	sor.u32 s3, s0;
	s1 =	sshll.u32 s1, $0x11  }
0xbb: {  	s0 =	sor.u32 s1, s0  }
0xbc: {  	s0 =	sadd.s32 $0x8F2B, s0  }
0xbd: {  	[sflag:s0] =	ssyncadd.remote.s32 $0x1  }
0xbe: {  	_ =	sfence.sel $0xFFFF  }
0xbf: {  	[dreg:$0x0] =	wrdreg $0xFFFFFFFF;
	(pc) =	sbr.abs _section_cstart, $3  }
0xc0: {  	[dreg:$0x1] =	wrdreg $0xFFFFFFFF  }
0xc1: {  	_ =	task.clear_ibuf [dreg:s7], $0x2FFFF;
	_ =	strace $0x9FFFFFFF  }
0xc2: {  	(tm) =	ssettm $0x7FFFFFFF  }
0xc3: {  	_ =	shalt  }
tec
execute0_lowered:
.L_overlay_start_1:
0x0: {  	(tag) =	ssettag $0x1  }
0x1: {  	s0 =	rddreg [dreg:$0x0]  }
0x2: {  	s2 =	rddreg [dreg:$0x1];
	s1 =	simm.s32 $0x0;
	s3 =	srdreg.scid  }
0x3: {  	s10 =	stileid.u32;
	s15 =	simm.s32 $0x1C720;
	s16 =	simm.s32 $0x1  }
0x4: {  	s17 =	simm.s32 $0x5;
	s18 =	simm.s32 $0x80;
	s19 =	simm.s32 $0x400  }
0x5: {  	s20 =	simm.s32 $0x1A6A0;
	s21 =	simm.s32 $0x2;
	s22 =	simm.s32 $0x6  }
0x6: {  	s23 =	simm.s32 $0x1B6A0;
	[smem:$0x7FF] =	sst s1;
	s6 =	sand.u32 $0x1, s3  }
0x7: {  	s3 =	sadd.s32 $0x600, s0;
	s4 =	sadd.s32 $0xA600, s0;
	s9 =	sshll.u32 s10, $0x1  }
0x8: {  	s5 =	sadd.s32 $0xCDC00, s0;
	s29 =	sshll.u32 s10, $0xD;
	s7 =	ssub.s32 $0x2, s6  }
0x9: {  	s0 =	sadd.s32 $0x800, s0;
	s28 =	sor.u32 s6, s9;
	s8 =	sshrl.u32 s7, $0x1  }
.Ltmp0:
0xa: {  	s8 =	ssub.s32 s7, s8;
	s7 =	sshll.u32 s28, $0x7;
	(pc) =	sbr.rel .LBB2_1-.Ltmp0, $4  }
0xb: {  	_ =	strace $0x80000047;
	[dreg:$0x4] =	wrdreg s0;
	s7 =	sadd.s32 s5, s7  }
0xc: {  	s30 =	sand.u32 $0x1C000, s29;
	s31 =	smax.u32 s8, $0x1;
	[dreg:$0x3] =	wrdreg s7  }
0xd: {  	s6 =	sshll.u32 s28, $0x1;
	s7 =	sadd.s32 $0x10, s7;
	[dreg:$0x6] =	wrdreg s31  }
0xe: {  	s10 =	sadd.s32 s2, s30;
	[dreg:$0x5] =	wrdreg s7;
	s7 =	simm.s32 $0x0  }
.LBB2_8:
0xf: {  	s0 =	simm.s32 $0x3  }
0x10: {  	_ =	swait.ge [sflag:s0], $0x1000  }
0x11: {  	[sflag:s0] =	ssyncset.done $0x0  }
0x12: {  	s2 =	simm.s32 $0x4;
	[sflag:s0] =	ssyncadd.s32 $0xFFFFF000  }
0x13: {  	_ =	swait.ge [sflag:s2], $0x1000  }
0x14: {  	s7 =	rddreg [dreg:$0x7]  }
0x15: {  	s31 =	rddreg [dreg:$0x6];
	s7 =	sadd.s32 $0x1, s7  }
0x16: {  	p0 =	sne.s32 s7, s31  }
.Ltmp1:
0x17: {  	_ = 	snop;
	(pc) =	sbr.rel @!p0 .LBB2_9-.Ltmp1, $3  }
0x18: {  	_ =	sdelay $0x1  }
0x19: {  	[sflag:s2] =	ssyncset.done $0x0  }
0x1a: {  	[sflag:s2] =	ssyncadd.s32 $0xFFFFF000  }
.LBB2_1:
0x1b: {  	[dreg:$0x7] =	wrdreg s7;
	s0 =	simm.s32 $0x186A0  }
0x1c: {  	[tilespmem:s0], [sflag:$0x1] =	stream.linear.gather [hbm4b:s3+s1], $0x1000, $0x38;
	[tilespmem:$0x1C7A0] =	vst v63  }
0x1d: {  	s26 =	rddreg [dreg:$0x3];
	s2 =	simm.s32 $0x1C6A0  }
0x1e: {  	[tilespmem:s2], [sflag:$0x5] =	stream.linear.gather [hbm4b:s26+s1], $0x80, $0x38;
	[tilespmem:$0x1C7A0] =	vst v63  }
0x1f: {  	s29 =	rddreg [dreg:$0x4];
	s30 =	simm.s32 $0x196A0  }
0x20: {  	[tilespmem:s30], [sflag:$0x2] =	stream.linear.gather [hbm4b:s29+s1], $0x1000, $0x38;
	[tilespmem:$0x1C7A0] =	vst v63  }
0x21: {  	s31 =	rddreg [dreg:$0x5];
	s28 =	simm.s32 $0x0  }
0x22: {  	[tilespmem:s15], [sflag:$0x6] =	stream.linear.gather [hbm4b:s31+s1], $0x80, $0x38;
	[tilespmem:$0x1C7A0] =	vst v63  }
.LBB2_2:
0x23: {  	s29 =	sshll.u32 s28, $0x1  }
0x24: {  	p0 =	slt.u32 s28, $0x28;
	s30 =	sadd.s32 $0xFFFFFFB0, s29  }
0x25: {  	s30 =	smov.u32 @p0 s29  }
0x26: {  	p0 =	sne.s32 s30, $0x0  }
0x27: {  	p1 =	sgt.u32 @!p0 s28, $0x27  }
0x28: {  	s0 =	simm.s32 @!p0 $0x1;
	p1 =	por !p1, p0  }
0x29: {  	s0 =	simm.s32 @p1 $0x0  }
0x2a: {  	s0 =	sor.u32 @!p0 s0, s6  }
0x2b: {  	s0 =	smul.u32 @!p0 $0x30D4, s0;
	_ =	sdelay $0x1  }
0x2c: {  	s2 =	simm.s32 @!p0 $0x0;
	s0 =	sadd.s32 @!p0 s4, s0  }
0x2d: {  	[tilespmem:s2], [sflag:$0x7] =	stream.linear.gather @!p0 [hbm4b:s0+s2], $0x186A0, $0x38;
	[tilespmem:$0x1C7A0] =	vst v63  }
0x2e: {  	s0 =	simm.s32 @!p0 $0x7  }
0x2f: {  	_ =	swait.ge @!p0 [sflag:s0], $0x186A0  }
0x30: {  	[sflag:s0] =	ssyncset.done @!p0 $0x0  }
0x31: {  	[sflag:s0] =	ssyncadd.s32 @!p0 $0xFFFE7960  }
0x32: {  	_ =	swait.ge [sflag:s16], $0x1000  }
0x33: {  	[sflag:s16] =	ssyncset.done $0x0  }
0x34: {  	[sflag:s16] =	ssyncadd.s32 $0xFFFFF000  }
0x35: {  	_ =	swait.ge [sflag:s17], $0x80  }
0x36: {  	p1 =	seq.s32 s28, $0x0;
	[sflag:s17] =	ssyncset.done $0x0  }
0x37: {  	s0 =	simm.s32 @!p1 $0x3;
	[sflag:s17] =	ssyncadd.s32 $0xFFFFFF80  }
0x38: {  	_ =	swait.ge @!p1 [sflag:s0], $0x1000  }
0x39: {  	[sflag:s0] =	ssyncset.done @!p1 $0x0  }
0x3a: {  	s24 =	simm.s32 $0x18720;
	[sflag:s0] =	ssyncadd.s32 @!p1 $0xFFFFF000  }
0x3b: {  	v7 =	vld [tilespmem:s24+$0x40]  }
0x3c: {  	v2 =	vld [tilespmem:s24+$0xFFFFFFC0]  }
0x3d: {  	v3 =	vld [tilespmem:s24+$0xFFFFFFD0]  }
0x3e: {  	v10 =	vld [tilespmem:s24+$0x70]  }
0x3f: {  	v0 =	vld [tilespmem:s24+$0x0]  }
0x40: {  	v4 =	vld [tilespmem:s24+$0xFFFFFFE0]  }
0x41: {  	v5 =	vld [tilespmem:s24+$0xFFFFFFF0]  }
0x42: {  	v6 =	vld [tilespmem:s24+$0xFFFFFFB0]  }
0x43: {  	v15 =	vld [tilespmem:s24+$0x60]  }
0x44: {  	v17 =	vld [tilespmem:s24+$0x20]  }
0x45: {  	s31 =	simm.s32 $0x0;
	v14 =	vld [tilespmem:s24+$0x10]  }
0x46: {  	s25 =	sand.u32 $0x1C0, s31;
	v11 =	vld [tilespmem:s24+$0x30]  }
0x47: {  	s0 =	sshrl.u32 s25, $0x2;
	v12 =	vld [tilespmem:s24+$0xFFFFFF90]  }
0x48: {  	v27 =	vld [tilespmem:s0+$0x1C6A0]  }
0x49: {  	v16 =	vld [tilespmem:s24+$0xFFFFFF80]  }
0x4a: {  	s9 =	simm.s32 $0x8;
	s11 =	simm.s32 $0xB;
	v9 =	vld [tilespmem:s24+$0xFFFFFFA0]  }
0x4b: {  	s26 =	simm.s32 $0x6;
	s12 =	simm.s32 $0xA;
	s13 =	simm.s32 $0x5;
	v18 =	vld [tilespmem:s24+$0x50]  }
0x4c: {  	s11 =	sand.u32 $0x1B, s11;
	s7 =	sand.u32 $0x1A, s12;
	s2 =	sand.u32 $0x16, s26;
	v1 =	vld.idx.msk [tilespmem:v0+s1+$0x0], $0xffff  }
0x4d: {  	s12 =	simm.s32 $0xC;
	s25 =	simm.s32 $0x4;
	s24 =	sand.u32 $0x15, s13;
	v8 =	vshrl.u32 v27, s11;
	v21 =	vshrl.u32 v27, s2;
	v20 =	vld.idx.msk [tilespmem:v5+s1+$0x0], $0xffff  }
0x4e: {  	s9 =	sand.u32 $0x18, s9;
	s26 =	simm.s32 $0xE;
	v13 =	vshrl.u32 v27, s7;
	s11 =	sand.u32 $0x14, s25;
	v22 =	vshrl.u32 v27, s24;
	v19 =	vand.u32 $0x1, v8;
	v0 =	vld.idx.msk [tilespmem:v4+s1+$0x0], $0xffff  }
0x4f: {  	s8 =	simm.s32 $0x7;
	s14 =	sand.u32 $0x1C, s12;
	s2 =	sand.u32 $0x1E, s26;
	v8 =	vshrl.u32 v27, s9;
	v24 =	vand.u32 $0x1, v13;
	v13 =	vshrl.u32 v27, s11;
	v4 =	vld.idx.msk [tilespmem:v3+s1+$0x0], $0xffff  }
0x50: {  	s8 =	sand.u32 $0x17, s8;
	s7 =	simm.s32 $0x2;
	v28 =	vshrl.u32 v27, s2;
	v23 =	vcvt.s32.f32 v19;
	v19 =	vshrl.u32 v27, s14;
	v2 =	vld.idx.msk [tilespmem:v2+s1+$0x0], $0xffff  }
0x51: {  	s12 =	simm.s32 $0x9;
	s9 =	sand.u32 $0x12, s7;
	v22 =	vand.u32 $0x1, v22;
	v5 =	vshrl.u32 v27, s8;
	v3 =	vld.idx.msk [tilespmem:v6+s1+$0x0], $0xffff;
	v26 =	vand.u32 $0x1, v19  }
0x52: {  	s8 =	sand.u32 $0x19, s12;
	v19 =	vshrl.u32 v27, s9;
	v30 =	vld.idx.msk [tilespmem:v16+s1+$0x0], $0xffff;
	v16 =	vcvt.s32.f32 v24;
	v5 =	vand.u32 $0x1, v5  }
0x53: {  	s0 =	simm.s32 $0x0;
	v9 =	vld.idx.msk [tilespmem:v9+s1+$0x0], $0xffff;
	v25 =	vshrl.u32 v27, s8;
	v19 =	vand.u32 $0x1, v19;
	v34 =	vmul.f32 $1.111111160e+00, v23  }
0x54: {  	s13 =	sand.u32 $0x10, s0;
	v26 =	vcvt.s32.f32 v26;
	v6 =	vcvt.s32.f32 v5;
	v5 =	vld.idx.msk [tilespmem:v12+s1+$0x0], $0xffff;
	v12 =	vand.u32 $0x1, v21  }
0x55: {  	s24 =	simm.s32 $0x3;
	v32 =	vld.idx.msk [tilespmem:v11+s1+$0x0], $0xffff;
	v21 =	vshrl.u32 v27, s13;
	v31 =	vand.u32 $0x1, v25;
	v16 =	vmul.f32 $1.111111160e+00, v16  }
0x56: {  	s14 =	simm.s32 $0x1;
	v11 =	vld.idx.msk [tilespmem:v18+s1+$0x0], $0xffff;
	s8 =	sand.u32 $0x13, s24;
	v29 =	vmul.f32 $1.111111160e+00, v6;
	v6 =	vcvt.s32.f32 v12;
	v12 =	vand.u32 $0x1, v21  }
0x57: {  	s25 =	simm.s32 $0xFFFFFFEF;
	s2 =	sand.u32 $0x11, s14;
	v14 =	vld.idx.msk [tilespmem:v14+s1+$0x0], $0xffff;
	v23 =	vcvt.s32.f32 v31;
	v21 =	vcvt.s32.f32 v12;
	v12 =	vshrl.u32 v27, s8  }
0x58: {  	v18 =	vld.idx.msk [tilespmem:v15+s1+$0x0], $0xffff;
	v29 =	vmul.f32 v20, v29;
	v20 =	vshrl.u32 v27, s2;
	v12 =	vand.u32 $0x1, v12;
	s2 =	sand.u32 $0x1F, s25  }
0x59: {  	p0 =	sgt.u32 s28, $0x27;
	s26 =	simm.s32 $0xD;
	s8 =	simm.s32 $0x1;
	v24 =	vmul.f32 $1.111111160e+00, v21;
	v33 =	vand.u32 $0x1, v20;
	v20 =	vld.idx.msk [tilespmem:v17+s1+$0x0], $0xffff;
	v15 =	vshrl.u32 v27, s2  }
0x5a: {  	s9 =	sand.u32 $0x1D, s26;
	s8 =	simm.s32 @!p0 $0x0;
	v21 =	vand.u32 $0x1, v28;
	s2 =	simm.s32 $0x1A720;
	v28 =	vand.u32 $0x1, v15;
	v17 =	vcvt.s32.f32 v33;
	v15 =	vld.idx.msk [tilespmem:v7+s1+$0x0], $0xffff  }
0x5b: {  	s13 =	simm.s32 $0x18820;
	s12 =	sor.u32 s8, s6;
	v27 =	vshrl.u32 v27, s9;
	s8 =	simm.s32 $0x1A720;
	[tilespmem:s2+$0xFFFFFFF0] =	vst v29;
	v25 =	vmul.f32 v24, v30;
	v24 =	vld.idx.msk [tilespmem:v10+s1+$0x0], $0xffff;
	v10 =	vmul.f32 v32, v34  }
.LBB2_3:
0x5c: {  	s31 =	sadd.s32 $0x20, s31  }
0x5d: {  	v7 =	vld [tilespmem:s13+$0x40];
	[tilespmem:s2+$0xFFFFFF80] =	vst v25;
	v25 =	vmul.f32 $1.111111160e+00, v26;
	v26 =	vand.u32 $0x1, v27;
	v27 =	vcvt.s32.f32 v28;
	s8 =	sadd.s32 $0x100, s8;
	s9 =	smov.u32 s0;
	s0 =	sadd.s32 $0x10, s0  }
0x5e: {  	v19 =	vcvt.s32.f32 v19;
	v13 =	vand.u32 $0x1, v13;
	v21 =	vcvt.s32.f32 v21;
	v28 =	vld [tilespmem:s13+$0xFFFFFFC0];
	p0 =	slt.u32 s0, $0xF0;
	[tilespmem:s2+$0x30] =	vst v10  }
0x5f: {  	v22 =	vcvt.s32.f32 v22;
	v8 =	vand.u32 $0x1, v8;
	v29 =	vld [tilespmem:s13+$0xFFFFFFD0];
	v27 =	vmul.f32 $1.111111160e+00, v27  }
0x60: {  	v23 =	vmul.f32 $1.111111160e+00, v23;
	s11 =	sand.u32 $0x1C0, s31;
	v21 =	vmul.f32 $1.111111160e+00, v21;
	v10 =	vld [tilespmem:s13+$0x70]  }
0x61: {  	v13 =	vcvt.s32.f32 v13;
	s7 =	sshrl.u32 s11, $0x2;
	v30 =	vld [tilespmem:s13+$0x0];
	v24 =	vmul.f32 v24, v27  }
0x62: {  	v8 =	vcvt.s32.f32 v8;
	v19 =	vmul.f32 $1.111111160e+00, v19;
	v27 =	vld [tilespmem:s13+$0xFFFFFFE0]  }
0x63: {  	v22 =	vmul.f32 $1.111111160e+00, v22;
	v25 =	vmul.f32 v15, v25;
	v31 =	vld [tilespmem:s13+$0xFFFFFFF0]  }
0x64: {  	v9 =	vmul.f32 v9, v19;
	v19 =	vcvt.s32.f32 v26;
	v32 =	vld [tilespmem:s13+$0xFFFFFFB0];
	[tilespmem:s2+$0x70] =	vst v24  }
0x65: {  	s24 =	sadd.s32 $0x18, s9;
	v16 =	vmul.f32 v20, v16;
	s11 =	sadd.s32 $0x17, s9;
	v4 =	vmul.f32 v4, v22;
	v15 =	vld [tilespmem:s13+$0x60];
	[tilespmem:s2+$0x40] =	vst v25  }
0x66: {  	v12 =	vcvt.s32.f32 v12;
	s25 =	sand.u32 $0x17, s11;
	s11 =	sand.u32 $0x18, s24;
	v19 =	vmul.f32 $1.111111160e+00, v19;
	v20 =	vld [tilespmem:s13+$0x20]  }
0x67: {  	v14 =	vmul.f32 v14, v23;
	v22 =	vld [tilespmem:s13+$0x10];
	[tilespmem:s2+$0x20] =	vst v16;
	v16 =	vmul.f32 v18, v21  }
0x68: {  	v11 =	vmul.f32 v11, v19;
	v18 =	vld [tilespmem:s13+$0x30];
	[tilespmem:s2+$0xFFFFFFA0] =	vst v9;
	v9 =	vmul.f32 $1.111111160e+00, v12  }
0x69: {  	v13 =	vmul.f32 $1.111111160e+00, v13;
	v8 =	vmul.f32 $1.111111160e+00, v8;
	v12 =	vld [tilespmem:s13+$0xFFFFFF90];
	[tilespmem:s2+$0x60] =	vst v16  }
0x6a: {  	v16 =	vmul.f32 $1.111111160e+00, v17;
	v33 =	vld [tilespmem:s7+$0x1C6A0];
	v3 =	vmul.f32 v3, v9;
	[tilespmem:s2+$0x10] =	vst v14  }
0x6b: {  	v2 =	vmul.f32 v2, v13;
	v1 =	vmul.f32 v1, v8;
	v14 =	vld [tilespmem:s13+$0xFFFFFF80];
	[tilespmem:s2+$0x50] =	vst v11  }
0x6c: {  	v5 =	vmul.f32 v5, v16;
	v9 =	vld [tilespmem:s13+$0xFFFFFFA0];
	[tilespmem:s2+$0xFFFFFFD0] =	vst v4;
	v4 =	vmul.f32 $1.111111160e+00, v6  }
0x6d: {  	s26 =	sadd.s32 $0x1B, s9;
	s24 =	sadd.s32 $0x1A, s9;
	s7 =	sadd.s32 $0x16, s9;
	v11 =	vld [tilespmem:s13+$0x50];
	[tilespmem:s2+$0x0] =	vst v1  }
0x6e: {  	s14 =	sadd.s32 $0x15, s9;
	s26 =	sand.u32 $0x1B, s26;
	s7 =	sand.u32 $0x16, s7;
	v1 =	vld.idx.msk [tilespmem:v30+s1+$0x0], $0xffff;
	[tilespmem:s2+$0xFFFFFFC0] =	vst v2;
	v2 =	vmul.f32 v0, v4  }
0x6f: {  	s14 =	sand.u32 $0x15, s14;
	s24 =	sand.u32 $0x1A, s24;
	v16 =	vld.idx.msk [tilespmem:v31+s1+$0x0], $0xffff;
	v6 =	vshrl.u32 v33, s25;
	v4 =	vshrl.u32 v33, s26;
	s25 =	sadd.s32 $0x1C, s9;
	[tilespmem:s2+$0xFFFFFF90] =	vst v5  }
0x70: {  	v17 =	vshrl.u32 v33, s7;
	v5 =	vshrl.u32 v33, s24;
	v0 =	vld.idx.msk [tilespmem:v27+s1+$0x0], $0xffff;
	v13 =	vand.u32 $0x1, v4;
	s7 =	sand.u32 $0x1C, s25;
	[tilespmem:s2+$0xFFFFFFE0] =	vst v2  }
0x71: {  	s24 =	sadd.s32 $0x14, s9;
	v8 =	vshrl.u32 v33, s11;
	v4 =	vld.idx.msk [tilespmem:v29+s1+$0x0], $0xffff;
	v24 =	vcvt.s32.f32 v13;
	v19 =	vshrl.u32 v33, s7;
	s7 =	sadd.s32 $0x1E, s9;
	[tilespmem:s2+$0xFFFFFFB0] =	vst v3;
	s2 =	smov.u32 s8  }
0x72: {  	s11 =	sadd.s32 $0x12, s9;
	v23 =	vshrl.u32 v33, s14;
	s14 =	sadd.s32 $0x19, s9;
	s24 =	sand.u32 $0x14, s24;
	v6 =	vand.u32 $0x1, v6;
	v21 =	vand.u32 $0x1, v5;
	v2 =	vld.idx.msk [tilespmem:v28+s1+$0x0], $0xffff  }
0x73: {  	s11 =	sand.u32 $0x12, s11;
	s14 =	sand.u32 $0x19, s14;
	v13 =	vshrl.u32 v33, s24;
	v6 =	vcvt.s32.f32 v6;
	v26 =	vand.u32 $0x1, v19;
	s7 =	sand.u32 $0x1E, s7;
	v3 =	vld.idx.msk [tilespmem:v32+s1+$0x0], $0xffff  }
0x74: {  	v25 =	vshrl.u32 v33, s14;
	v19 =	vshrl.u32 v33, s11;
	v27 =	vshrl.u32 v33, s7;
	v9 =	vld.idx.msk [tilespmem:v9+s1+$0x0], $0xffff  }
0x75: {  	s7 =	sand.u32 $0x10, s0;
	v19 =	vand.u32 $0x1, v19;
	v5 =	vld.idx.msk [tilespmem:v12+s1+$0x0], $0xffff;
	v12 =	vand.u32 $0x1, v17;
	v17 =	vmul.f32 $1.111111160e+00, v6  }
0x76: {  	s11 =	sadd.s32 $0x13, s9;
	v25 =	vand.u32 $0x1, v25;
	v28 =	vld.idx.msk [tilespmem:v14+s1+$0x0], $0xffff;
	v14 =	vshrl.u32 v33, s7;
	s7 =	sadd.s32 $0x11, s9;
	v6 =	vcvt.s32.f32 v12  }
0x77: {  	s11 =	sand.u32 $0x13, s11;
	v12 =	vand.u32 $0x1, v14;
	s7 =	sand.u32 $0x11, s7;
	v14 =	vmul.f32 v16, v17;
	v16 =	vcvt.s32.f32 v21;
	v29 =	vld.idx.msk [tilespmem:v18+s1+$0x0], $0xffff  }
0x78: {  	v17 =	vcvt.s32.f32 v12;
	v18 =	vshrl.u32 v33, s7;
	v12 =	vshrl.u32 v33, s11;
	v11 =	vld.idx.msk [tilespmem:v11+s1+$0x0], $0xffff  }
.Ltmp2:
0x79: {  	v21 =	vand.u32 $0x1, v27;
	s7 =	sadd.s32 $0xFFFFFFFF, s9;
	v12 =	vand.u32 $0x1, v12;
	[tilespmem:s8+$0xFFFFFFF0] =	vst v14;
	v14 =	vld.idx.msk [tilespmem:v22+s1+$0x0], $0xffff;
	v16 =	vmul.f32 $1.111111160e+00, v16;
	(pc) =	sbr.rel @p0 .LBB2_3-.Ltmp2, $4  }
0x7a: {  	v27 =	vand.u32 $0x1, v18;
	v22 =	vand.u32 $0x1, v23;
	s7 =	sand.u32 $0x1F, s7;
	v17 =	vmul.f32 $1.111111160e+00, v17;
	v20 =	vld.idx.msk [tilespmem:v20+s1+$0x0], $0xffff  }
0x7b: {  	v30 =	vmul.f32 $1.111111160e+00, v24;
	s9 =	sadd.s32 $0x1D, s9;
	v23 =	vcvt.s32.f32 v25;
	v18 =	vld.idx.msk [tilespmem:v15+s1+$0x0], $0xffff;
	v15 =	vshrl.u32 v33, s7  }
0x7c: {  	v26 =	vcvt.s32.f32 v26;
	s7 =	sand.u32 $0x1D, s9;
	v25 =	vmul.f32 v17, v28;
	v24 =	vld.idx.msk [tilespmem:v10+s1+$0x0], $0xffff;
	v28 =	vand.u32 $0x1, v15  }
0x7d: {  	s13 =	sadd.s32 $0x100, s13;
	v17 =	vcvt.s32.f32 v27;
	v10 =	vmul.f32 v29, v30;
	v27 =	vshrl.u32 v33, s7;
	v15 =	vld.idx.msk [tilespmem:v7+s1+$0x0], $0xffff  }
0x7e: {  	v7 =	vmul.f32 $1.111111160e+00, v26  }
0x7f: {  	v26 =	vcvt.s32.f32 v28;
	v19 =	vcvt.s32.f32 v19  }
0x80: {  	v21 =	vcvt.s32.f32 v21;
	v22 =	vcvt.s32.f32 v22;
	v13 =	vand.u32 $0x1, v13  }
0x81: {  	v23 =	vmul.f32 $1.111111160e+00, v23;
	v8 =	vand.u32 $0x1, v8;
	v13 =	vcvt.s32.f32 v13  }
0x82: {  	[tilespmem:s2+$0xFFFFFF80] =	vst v25;
	v25 =	vand.u32 $0x1, v27;
	v8 =	vcvt.s32.f32 v8;
	v26 =	vmul.f32 $1.111111160e+00, v26  }
0x83: {  	[tilespmem:s2+$0x30] =	vst v10;
	v10 =	vcvt.s32.f32 v25;
	v14 =	vmul.f32 v14, v23  }
0x84: {  	v21 =	vmul.f32 $1.111111160e+00, v21;
	v24 =	vmul.f32 v24, v26  }
0x85: {  	v19 =	vmul.f32 $1.111111160e+00, v19;
	v7 =	vmul.f32 v15, v7;
	[tilespmem:s2+$0x10] =	vst v14  }
0x86: {  	v8 =	vmul.f32 $1.111111160e+00, v8;
	v15 =	vmul.f32 v20, v16;
	[tilespmem:s2+$0x70] =	vst v24  }
0x87: {  	v16 =	vmul.f32 $1.111111160e+00, v22;
	v9 =	vmul.f32 v9, v19;
	[tilespmem:s2+$0x40] =	vst v7  }
0x88: {  	v7 =	vmul.f32 $1.111111160e+00, v10;
	[tilespmem:s2+$0x20] =	vst v15;
	v10 =	vmul.f32 v18, v21  }
0x89: {  	v1 =	vmul.f32 v1, v8;
	v4 =	vmul.f32 v4, v16;
	[tilespmem:s2+$0xFFFFFFA0] =	vst v9  }
0x8a: {  	v9 =	vcvt.s32.f32 v12;
	[tilespmem:s2+$0x60] =	vst v10;
	v10 =	vmul.f32 $1.111111160e+00, v13  }
0x8b: {  	[tilespmem:s2+$0x0] =	vst v1;
	v7 =	vmul.f32 v11, v7;
	v11 =	vmul.f32 $1.111111160e+00, v17  }
0x8c: {  	p0 =	seq.s32 s28, $0x4F;
	[tilespmem:s2+$0xFFFFFFD0] =	vst v4;
	v4 =	vmul.f32 $1.111111160e+00, v6;
	v2 =	vmul.f32 v2, v10  }
0x8d: {  	s0 =	sshll.u32 s30, $0xC;
	s7 =	sadd.s32 @!p0 $0x2, s29;
	v6 =	vmul.f32 $1.111111160e+00, v9;
	[tilespmem:s2+$0x50] =	vst v7;
	v5 =	vmul.f32 v5, v11  }
0x8e: {  	s8 =	sshll.u32 s30, $0xF;
	s0 =	sand.u32 $0x2000, s0;
	s9 =	smulhi.u32 @!p0 $0x66666667, s7;
	v0 =	vmul.f32 v0, v4;
	[tilespmem:s2+$0xFFFFFFC0] =	vst v2  }
0x8f: {  	s11 =	sshll.u32 s12, $0x4;
	s8 =	sand.u32 $0x3E0000, s8;
	s0 =	sadd.s32 s0, s10;
	v1 =	vmul.f32 v3, v6;
	[tilespmem:s2+$0xFFFFFF90] =	vst v5  }
0x90: {  	s30 =	sand.u32 $0x70, s11;
	s0 =	sadd.s32 s8, s0;
	s8 =	sshrl.u32 @!p0 s9, $0x5;
	[tilespmem:s2+$0xFFFFFFE0] =	vst v0  }
0x91: {  	s0 =	sadd.s32 s30, s0;
	[tilespmem:s2+$0xFFFFFFB0] =	vst v1;
	s2 =	smul.u32 @!p0 $0x50, s8  }
0x92: {  	[hbm4b:s0+s18] =	stream.strided.scatter [tilespmem:s20], [sflag:$0x3], $0x1000, s19, s18, $0x38;
	[tilespmem:$0x1C7A0] =	vst v63  }
0x93: {  	s0 =	ssub.s32 @!p0 s7, s2  }
0x94: {  	s2 =	sshrl.u32 @!p0 s0, $0x2;
	s0 =	sshll.u32 @!p0 s0, $0xC  }
0x95: {  	s7 =	sshll.u32 @!p0 s2, $0xE;
	s0 =	sand.u32 @!p0 $0x2000, s0  }
0x96: {  	s7 =	sor.u32 @!p0 s0, s7  }
0x97: {  	s7 =	sshrl.u32 @!p0 s7, $0x3  }
0x98: {  	s11 =	simm.s32 @!p0 $0x186A0;
	s9 =	simm.s32 @!p0 $0x0;
	s7 =	sadd.s32 @!p0 s3, s7  }
0x99: {  	[tilespmem:s11], [sflag:$0x1] =	stream.linear.gather @!p0 [hbm4b:s7+s9], $0x1000, $0x38;
	[tilespmem:$0x1C7A0] =	vst v63  }
0x9a: {  	s7 =	sadd.s32 @!p0 s6, s8  }
0x9b: {  	s2 =	sshll.u32 @!p0 s2, $0x14;
	s7 =	sshll.u32 @!p0 s7, $0xE  }
0x9c: {  	s2 =	sadd.s32 @!p0 s7, s2  }
0x9d: {  	s0 =	sor.u32 @!p0 s0, s2  }
0x9e: {  	s0 =	sshrl.u32 @!p0 s0, $0x8  }
0x9f: {  	s2 =	simm.s32 @!p0 $0x1C6A0;
	s0 =	sadd.s32 @!p0 s5, s0  }
0xa0: {  	[tilespmem:s2], [sflag:$0x5] =	stream.linear.gather @!p0 [hbm4b:s0+s9], $0x80, $0x38;
	[tilespmem:$0x1C7A0] =	vst v63  }
0xa1: {  	_ =	swait.ge [sflag:s21], $0x1000  }
0xa2: {  	[sflag:s21] =	ssyncset.done $0x0  }
0xa3: {  	[sflag:s21] =	ssyncadd.s32 $0xFFFFF000  }
0xa4: {  	_ =	swait.ge [sflag:s22], $0x80  }
0xa5: {  	[sflag:s22] =	ssyncset.done $0x0  }
0xa6: {  	s0 =	simm.s32 @!p1 $0x4;
	[sflag:s22] =	ssyncadd.s32 $0xFFFFFF80  }
0xa7: {  	_ =	swait.ge @!p1 [sflag:s0], $0x1000  }
0xa8: {  	[sflag:s0] =	ssyncset.done @!p1 $0x0  }
0xa9: {  	s14 =	simm.s32 $0x19720;
	[sflag:s0] =	ssyncadd.s32 @!p1 $0xFFFFF000  }
0xaa: {  	v7 =	vld [tilespmem:s14+$0x40]  }
0xab: {  	v2 =	vld [tilespmem:s14+$0xFFFFFFC0]  }
0xac: {  	v3 =	vld [tilespmem:s14+$0xFFFFFFD0]  }
0xad: {  	v10 =	vld [tilespmem:s14+$0x70]  }
0xae: {  	v0 =	vld [tilespmem:s14+$0x0]  }
0xaf: {  	v4 =	vld [tilespmem:s14+$0xFFFFFFE0]  }
0xb0: {  	v5 =	vld [tilespmem:s14+$0xFFFFFFF0]  }
0xb1: {  	v6 =	vld [tilespmem:s14+$0xFFFFFFB0]  }
0xb2: {  	v15 =	vld [tilespmem:s14+$0x60]  }
0xb3: {  	v17 =	vld [tilespmem:s14+$0x20]  }
0xb4: {  	s31 =	simm.s32 $0x0;
	v14 =	vld [tilespmem:s14+$0x10]  }
0xb5: {  	s24 =	sand.u32 $0x1C0, s31;
	v11 =	vld [tilespmem:s14+$0x30]  }
0xb6: {  	s0 =	sshrl.u32 s24, $0x2;
	v12 =	vld [tilespmem:s14+$0xFFFFFF90]  }
0xb7: {  	v27 =	vld [tilespmem:s0+$0x1C720]  }
0xb8: {  	v16 =	vld [tilespmem:s14+$0xFFFFFF80]  }
0xb9: {  	s25 =	simm.s32 $0x7;
	s26 =	simm.s32 $0x8;
	s12 =	simm.s32 $0xB;
	v9 =	vld [tilespmem:s14+$0xFFFFFFA0]  }
0xba: {  	s13 =	simm.s32 $0x6;
	s8 =	sand.u32 $0x18, s26;
	s26 =	simm.s32 $0x5;
	v19 =	vld [tilespmem:s14+$0x50]  }
0xbb: {  	s9 =	sand.u32 $0x1B, s12;
	s2 =	sand.u32 $0x16, s13;
	s14 =	simm.s32 $0xA;
	v1 =	vld.idx.msk [tilespmem:v0+s1+$0x0], $0xffff  }
0xbc: {  	s13 =	sand.u32 $0x15, s26;
	s24 =	sand.u32 $0x1A, s14;
	s14 =	simm.s32 $0x4;
	v8 =	vshrl.u32 v27, s9;
	v21 =	vshrl.u32 v27, s2;
	v20 =	vld.idx.msk [tilespmem:v5+s1+$0x0], $0xffff  }
0xbd: {  	s7 =	sand.u32 $0x17, s25;
	s25 =	simm.s32 $0xC;
	v13 =	vshrl.u32 v27, s24;
	s9 =	sand.u32 $0x14, s14;
	v22 =	vshrl.u32 v27, s13;
	v18 =	vand.u32 $0x1, v8;
	v0 =	vld.idx.msk [tilespmem:v4+s1+$0x0], $0xffff  }
0xbe: {  	s12 =	sand.u32 $0x1C, s25;
	s24 =	simm.s32 $0xE;
	v8 =	vshrl.u32 v27, s8;
	v24 =	vand.u32 $0x1, v13;
	v13 =	vshrl.u32 v27, s9;
	v4 =	vld.idx.msk [tilespmem:v3+s1+$0x0], $0xffff  }
0xbf: {  	s25 =	simm.s32 $0x2;
	s2 =	sand.u32 $0x1E, s24;
	v22 =	vand.u32 $0x1, v22;
	v23 =	vcvt.s32.f32 v18;
	v18 =	vshrl.u32 v27, s12;
	v2 =	vld.idx.msk [tilespmem:v2+s1+$0x0], $0xffff  }
0xc0: {  	s26 =	simm.s32 $0x9;
	s8 =	sand.u32 $0x12, s25;
	v28 =	vshrl.u32 v27, s2;
	v5 =	vshrl.u32 v27, s7;
	v3 =	vld.idx.msk [tilespmem:v6+s1+$0x0], $0xffff;
	v26 =	vand.u32 $0x1, v18  }
0xc1: {  	s7 =	sand.u32 $0x19, s26;
	v18 =	vshrl.u32 v27, s8;
	v30 =	vld.idx.msk [tilespmem:v16+s1+$0x0], $0xffff;
	v16 =	vcvt.s32.f32 v24;
	v5 =	vand.u32 $0x1, v5  }
0xc2: {  	s0 =	simm.s32 $0x0;
	v9 =	vld.idx.msk [tilespmem:v9+s1+$0x0], $0xffff;
	v25 =	vshrl.u32 v27, s7;
	v18 =	vand.u32 $0x1, v18;
	v34 =	vmul.f32 $1.111111160e+00, v23  }
0xc3: {  	s9 =	sand.u32 $0x10, s0;
	v26 =	vcvt.s32.f32 v26;
	v6 =	vcvt.s32.f32 v5;
	v5 =	vld.idx.msk [tilespmem:v12+s1+$0x0], $0xffff;
	v12 =	vand.u32 $0x1, v21  }
0xc4: {  	s13 =	sor.u32 $0x1, s29;
	s12 =	simm.s32 $0x3;
	v32 =	vld.idx.msk [tilespmem:v11+s1+$0x0], $0xffff;
	v21 =	vshrl.u32 v27, s9;
	v31 =	vand.u32 $0x1, v25;
	v16 =	vmul.f32 $1.111111160e+00, v16  }
0xc5: {  	s11 =	simm.s32 $0x1;
	s14 =	smulhi.u32 $0x66666667, s13;
	v11 =	vld.idx.msk [tilespmem:v19+s1+$0x0], $0xffff;
	s7 =	sand.u32 $0x13, s12;
	v29 =	vmul.f32 $1.111111160e+00, v6;
	v6 =	vcvt.s32.f32 v12;
	v12 =	vand.u32 $0x1, v21  }
0xc6: {  	s24 =	simm.s32 $0xFFFFFFEF;
	s2 =	sand.u32 $0x11, s11;
	v14 =	vld.idx.msk [tilespmem:v14+s1+$0x0], $0xffff;
	v23 =	vcvt.s32.f32 v31;
	v21 =	vcvt.s32.f32 v12;
	v12 =	vshrl.u32 v27, s7  }
0xc7: {  	s25 =	sshrl.u32 s14, $0x5;
	v19 =	vld.idx.msk [tilespmem:v15+s1+$0x0], $0xffff;
	v29 =	vmul.f32 v20, v29;
	v20 =	vshrl.u32 v27, s2;
	v12 =	vand.u32 $0x1, v12;
	s2 =	sand.u32 $0x1F, s24  }
0xc8: {  	s26 =	simm.s32 $0xD;
	s7 =	smul.u32 $0x50, s25;
	v24 =	vmul.f32 $1.111111160e+00, v21;
	v33 =	vand.u32 $0x1, v20;
	v20 =	vld.idx.msk [tilespmem:v17+s1+$0x0], $0xffff;
	v15 =	vshrl.u32 v27, s2  }
0xc9: {  	s9 =	sand.u32 $0x1D, s26;
	v21 =	vand.u32 $0x1, v28;
	s2 =	simm.s32 $0x1B720;
	v28 =	vand.u32 $0x1, v15;
	v17 =	vcvt.s32.f32 v33;
	v15 =	vld.idx.msk [tilespmem:v7+s1+$0x0], $0xffff  }
0xca: {  	s8 =	simm.s32 $0x1B720;
	s12 =	ssub.s32 s13, s7;
	v27 =	vshrl.u32 v27, s9;
	s13 =	simm.s32 $0x19820;
	[tilespmem:s2+$0xFFFFFFF0] =	vst v29;
	v25 =	vmul.f32 v24, v30;
	v24 =	vld.idx.msk [tilespmem:v10+s1+$0x0], $0xffff;
	v10 =	vmul.f32 v32, v34  }
.LBB2_5:
0xcb: {  	s31 =	sadd.s32 $0x20, s31  }
0xcc: {  	v7 =	vld [tilespmem:s13+$0x40];
	[tilespmem:s2+$0xFFFFFF80] =	vst v25;
	v25 =	vmul.f32 $1.111111160e+00, v26;
	v26 =	vand.u32 $0x1, v27;
	v27 =	vcvt.s32.f32 v28;
	s8 =	sadd.s32 $0x100, s8;
	s9 =	smov.u32 s0;
	s0 =	sadd.s32 $0x10, s0  }
0xcd: {  	v18 =	vcvt.s32.f32 v18;
	v13 =	vand.u32 $0x1, v13;
	v21 =	vcvt.s32.f32 v21;
	v28 =	vld [tilespmem:s13+$0xFFFFFFC0];
	p1 =	slt.u32 s0, $0xF0;
	[tilespmem:s2+$0x30] =	vst v10  }
0xce: {  	v22 =	vcvt.s32.f32 v22;
	v8 =	vand.u32 $0x1, v8;
	v29 =	vld [tilespmem:s13+$0xFFFFFFD0];
	v27 =	vmul.f32 $1.111111160e+00, v27  }
0xcf: {  	v23 =	vmul.f32 $1.111111160e+00, v23;
	s7 =	sand.u32 $0x1C0, s31;
	v21 =	vmul.f32 $1.111111160e+00, v21;
	v10 =	vld [tilespmem:s13+$0x70]  }
0xd0: {  	v13 =	vcvt.s32.f32 v13;
	s7 =	sshrl.u32 s7, $0x2;
	v30 =	vld [tilespmem:s13+$0x0];
	v24 =	vmul.f32 v24, v27  }
0xd1: {  	v8 =	vcvt.s32.f32 v8;
	v18 =	vmul.f32 $1.111111160e+00, v18;
	v27 =	vld [tilespmem:s13+$0xFFFFFFE0]  }
0xd2: {  	v22 =	vmul.f32 $1.111111160e+00, v22;
	v25 =	vmul.f32 v15, v25;
	v31 =	vld [tilespmem:s13+$0xFFFFFFF0]  }
0xd3: {  	v9 =	vmul.f32 v9, v18;
	v18 =	vcvt.s32.f32 v26;
	v32 =	vld [tilespmem:s13+$0xFFFFFFB0];
	[tilespmem:s2+$0x70] =	vst v24  }
0xd4: {  	s11 =	sadd.s32 $0x17, s9;
	s14 =	sadd.s32 $0x18, s9;
	v16 =	vmul.f32 v20, v16;
	v4 =	vmul.f32 v4, v22;
	v15 =	vld [tilespmem:s13+$0x60];
	[tilespmem:s2+$0x40] =	vst v25  }
0xd5: {  	v12 =	vcvt.s32.f32 v12;
	s24 =	sand.u32 $0x17, s11;
	s11 =	sand.u32 $0x18, s14;
	v18 =	vmul.f32 $1.111111160e+00, v18;
	v20 =	vld [tilespmem:s13+$0x20]  }
0xd6: {  	v14 =	vmul.f32 v14, v23;
	v22 =	vld [tilespmem:s13+$0x10];
	[tilespmem:s2+$0x20] =	vst v16;
	v16 =	vmul.f32 v19, v21  }
0xd7: {  	v11 =	vmul.f32 v11, v18;
	v19 =	vld [tilespmem:s13+$0x30];
	[tilespmem:s2+$0xFFFFFFA0] =	vst v9;
	v9 =	vmul.f32 $1.111111160e+00, v12  }
0xd8: {  	v13 =	vmul.f32 $1.111111160e+00, v13;
	v8 =	vmul.f32 $1.111111160e+00, v8;
	v12 =	vld [tilespmem:s13+$0xFFFFFF90];
	[tilespmem:s2+$0x60] =	vst v16  }
0xd9: {  	v16 =	vmul.f32 $1.111111160e+00, v17;
	v33 =	vld [tilespmem:s7+$0x1C720];
	v3 =	vmul.f32 v3, v9;
	[tilespmem:s2+$0x10] =	vst v14  }
0xda: {  	v2 =	vmul.f32 v2, v13;
	v1 =	vmul.f32 v1, v8;
	v14 =	vld [tilespmem:s13+$0xFFFFFF80];
	[tilespmem:s2+$0x50] =	vst v11  }
0xdb: {  	v5 =	vmul.f32 v5, v16;
	v9 =	vld [tilespmem:s13+$0xFFFFFFA0];
	[tilespmem:s2+$0xFFFFFFD0] =	vst v4;
	v4 =	vmul.f32 $1.111111160e+00, v6  }
0xdc: {  	s25 =	sadd.s32 $0x1B, s9;
	s14 =	sadd.s32 $0x1A, s9;
	s7 =	sadd.s32 $0x16, s9;
	v11 =	vld [tilespmem:s13+$0x50];
	[tilespmem:s2+$0x0] =	vst v1  }
0xdd: {  	s26 =	sadd.s32 $0x15, s9;
	s25 =	sand.u32 $0x1B, s25;
	s7 =	sand.u32 $0x16, s7;
	v1 =	vld.idx.msk [tilespmem:v30+s1+$0x0], $0xffff;
	[tilespmem:s2+$0xFFFFFFC0] =	vst v2;
	v2 =	vmul.f32 v0, v4  }
0xde: {  	s26 =	sand.u32 $0x15, s26;
	s14 =	sand.u32 $0x1A, s14;
	v16 =	vld.idx.msk [tilespmem:v31+s1+$0x0], $0xffff;
	v6 =	vshrl.u32 v33, s24;
	v4 =	vshrl.u32 v33, s25;
	s24 =	sadd.s32 $0x1C, s9;
	[tilespmem:s2+$0xFFFFFF90] =	vst v5  }
0xdf: {  	v17 =	vshrl.u32 v33, s7;
	v5 =	vshrl.u32 v33, s14;
	v0 =	vld.idx.msk [tilespmem:v27+s1+$0x0], $0xffff;
	v13 =	vand.u32 $0x1, v4;
	s7 =	sand.u32 $0x1C, s24;
	[tilespmem:s2+$0xFFFFFFE0] =	vst v2  }
0xe0: {  	s14 =	sadd.s32 $0x14, s9;
	v8 =	vshrl.u32 v33, s11;
	v4 =	vld.idx.msk [tilespmem:v29+s1+$0x0], $0xffff;
	v24 =	vcvt.s32.f32 v13;
	v18 =	vshrl.u32 v33, s7;
	s7 =	sadd.s32 $0x1E, s9;
	[tilespmem:s2+$0xFFFFFFB0] =	vst v3;
	s2 =	smov.u32 s8  }
0xe1: {  	s11 =	sadd.s32 $0x12, s9;
	v23 =	vshrl.u32 v33, s26;
	s14 =	sand.u32 $0x14, s14;
	v6 =	vand.u32 $0x1, v6;
	s24 =	sadd.s32 $0x19, s9;
	v21 =	vand.u32 $0x1, v5;
	v2 =	vld.idx.msk [tilespmem:v28+s1+$0x0], $0xffff  }
0xe2: {  	s11 =	sand.u32 $0x12, s11;
	v13 =	vshrl.u32 v33, s14;
	v6 =	vcvt.s32.f32 v6;
	s14 =	sand.u32 $0x19, s24;
	v26 =	vand.u32 $0x1, v18;
	s7 =	sand.u32 $0x1E, s7;
	v3 =	vld.idx.msk [tilespmem:v32+s1+$0x0], $0xffff  }
0xe3: {  	v18 =	vshrl.u32 v33, s11;
	v25 =	vshrl.u32 v33, s14;
	v27 =	vshrl.u32 v33, s7;
	v9 =	vld.idx.msk [tilespmem:v9+s1+$0x0], $0xffff  }
0xe4: {  	s7 =	sand.u32 $0x10, s0;
	v18 =	vand.u32 $0x1, v18;
	v5 =	vld.idx.msk [tilespmem:v12+s1+$0x0], $0xffff;
	v12 =	vand.u32 $0x1, v17;
	v17 =	vmul.f32 $1.111111160e+00, v6  }
0xe5: {  	s11 =	sadd.s32 $0x13, s9;
	v25 =	vand.u32 $0x1, v25;
	v28 =	vld.idx.msk [tilespmem:v14+s1+$0x0], $0xffff;
	v14 =	vshrl.u32 v33, s7;
	s7 =	sadd.s32 $0x11, s9;
	v6 =	vcvt.s32.f32 v12  }
0xe6: {  	s11 =	sand.u32 $0x13, s11;
	v12 =	vand.u32 $0x1, v14;
	s7 =	sand.u32 $0x11, s7;
	v14 =	vmul.f32 v16, v17;
	v16 =	vcvt.s32.f32 v21;
	v29 =	vld.idx.msk [tilespmem:v19+s1+$0x0], $0xffff  }
0xe7: {  	v17 =	vcvt.s32.f32 v12;
	v19 =	vshrl.u32 v33, s7;
	v12 =	vshrl.u32 v33, s11;
	v11 =	vld.idx.msk [tilespmem:v11+s1+$0x0], $0xffff  }
.Ltmp3:
0xe8: {  	v21 =	vand.u32 $0x1, v27;
	s7 =	sadd.s32 $0xFFFFFFFF, s9;
	v12 =	vand.u32 $0x1, v12;
	[tilespmem:s8+$0xFFFFFFF0] =	vst v14;
	v14 =	vld.idx.msk [tilespmem:v22+s1+$0x0], $0xffff;
	v16 =	vmul.f32 $1.111111160e+00, v16;
	(pc) =	sbr.rel @p1 .LBB2_5-.Ltmp3, $4  }
0xe9: {  	v27 =	vand.u32 $0x1, v19;
	v22 =	vand.u32 $0x1, v23;
	s7 =	sand.u32 $0x1F, s7;
	v17 =	vmul.f32 $1.111111160e+00, v17;
	v20 =	vld.idx.msk [tilespmem:v20+s1+$0x0], $0xffff  }
0xea: {  	v30 =	vmul.f32 $1.111111160e+00, v24;
	s9 =	sadd.s32 $0x1D, s9;
	v23 =	vcvt.s32.f32 v25;
	v19 =	vld.idx.msk [tilespmem:v15+s1+$0x0], $0xffff;
	v15 =	vshrl.u32 v33, s7  }
0xeb: {  	v26 =	vcvt.s32.f32 v26;
	s7 =	sand.u32 $0x1D, s9;
	v25 =	vmul.f32 v17, v28;
	v24 =	vld.idx.msk [tilespmem:v10+s1+$0x0], $0xffff;
	v28 =	vand.u32 $0x1, v15  }
0xec: {  	s13 =	sadd.s32 $0x100, s13;
	v17 =	vcvt.s32.f32 v27;
	v10 =	vmul.f32 v29, v30;
	v27 =	vshrl.u32 v33, s7;
	v15 =	vld.idx.msk [tilespmem:v7+s1+$0x0], $0xffff  }
0xed: {  	v7 =	vmul.f32 $1.111111160e+00, v26  }
0xee: {  	v51 =	vcvt.s32.f32 v28;
	v18 =	vcvt.s32.f32 v18  }
0xef: {  	v21 =	vcvt.s32.f32 v21;
	v22 =	vcvt.s32.f32 v22  }
0xf0: {  	v13 =	vand.u32 $0x1, v13;
	v23 =	vmul.f32 $1.111111160e+00, v23;
	v58 =	vcvt.s32.f32 v12  }
0xf1: {  	v8 =	vand.u32 $0x1, v8;
	v61 =	vmul.f32 $1.111111160e+00, v6;
	v13 =	vcvt.s32.f32 v13  }
0xf2: {  	[tilespmem:s2+$0xFFFFFF80] =	vst v25;
	v8 =	vcvt.s32.f32 v8;
	v54 =	vmul.f32 v20, v16  }
0xf3: {  	[tilespmem:s2+$0x30] =	vst v10;
	v60 =	vmul.f32 $1.111111160e+00, v17;
	v14 =	vmul.f32 v14, v23  }
0xf4: {  	v52 =	vand.u32 $0x1, v27;
	v26 =	vmul.f32 $1.111111160e+00, v51;
	v0 =	vmul.f32 v0, v61;
	[tilespmem:s2+$0x20] =	vst v54  }
0xf5: {  	v53 =	vcvt.s32.f32 v52;
	v5 =	vmul.f32 v5, v60;
	[tilespmem:s2+$0x10] =	vst v14  }
0xf6: {  	v18 =	vmul.f32 $1.111111160e+00, v18;
	v24 =	vmul.f32 v24, v26;
	[tilespmem:s2+$0xFFFFFFE0] =	vst v0  }
0xf7: {  	v21 =	vmul.f32 $1.111111160e+00, v21;
	v7 =	vmul.f32 v15, v7;
	[tilespmem:s2+$0xFFFFFF90] =	vst v5  }
0xf8: {  	v55 =	vmul.f32 $1.111111160e+00, v22;
	v9 =	vmul.f32 v9, v18;
	[tilespmem:s2+$0x70] =	vst v24  }
0xf9: {  	v62 =	vmul.f32 $1.111111160e+00, v58;
	v57 =	vmul.f32 v19, v21;
	[tilespmem:s2+$0x40] =	vst v7  }
0xfa: {  	v8 =	vmul.f32 $1.111111160e+00, v8;
	v4 =	vmul.f32 v4, v55;
	[tilespmem:s2+$0xFFFFFFA0] =	vst v9  }
0xfb: {  	v59 =	vmul.f32 $1.111111160e+00, v13;
	v63 =	vmul.f32 v3, v62;
	[tilespmem:s2+$0x60] =	vst v57  }
0xfc: {  	s0 =	sshll.u32 s12, $0xC;
	v56 =	vmul.f32 $1.111111160e+00, v53;
	v1 =	vmul.f32 v1, v8;
	[tilespmem:s2+$0xFFFFFFD0] =	vst v4  }
.Ltmp4:
0xfd: {  	s7 =	sshll.u32 s12, $0xF;
	s0 =	sand.u32 $0x3000, s0;
	v2 =	vmul.f32 v2, v59;
	[tilespmem:s2+$0xFFFFFFB0] =	vst v63;
	(pc) =	sbr.rel @p0 .LBB2_8-.Ltmp4, $4  }
0xfe: {  	s7 =	sand.u32 $0x3E0000, s7;
	s0 =	sadd.s32 s0, s10;
	v7 =	vmul.f32 v11, v56;
	[tilespmem:s2+$0x0] =	vst v1  }
0xff: {  	s0 =	sadd.s32 s7, s0;
	[tilespmem:s2+$0xFFFFFFC0] =	vst v2  }
0x100: {  	s0 =	sadd.s32 s30, s0;
	[tilespmem:s2+$0x50] =	vst v7  }
0x101: {  	[hbm4b:s0+s18] =	stream.strided.scatter [tilespmem:s23], [sflag:$0x4], $0x1000, s19, s18, $0x38;
	[tilespmem:$0x1C7A0] =	vst v63  }
0x102: {  	s0 =	sadd.s32 $0x3, s29  }
0x103: {  	s2 =	smulhi.u32 $0x66666667, s0;
	_ =	sdelay $0x1  }
0x104: {  	s2 =	sshrl.u32 s2, $0x5  }
0x105: {  	s7 =	smul.u32 $0x50, s2;
	_ =	sdelay $0x1  }
0x106: {  	s2 =	sadd.s32 s6, s2;
	s0 =	ssub.s32 s0, s7  }
0x107: {  	s2 =	sshll.u32 s2, $0xE;
	s7 =	sshrl.u32 s0, $0x2;
	s0 =	sshll.u32 s0, $0xC  }
0x108: {  	s8 =	sshll.u32 s7, $0xE;
	s0 =	sand.u32 $0x3000, s0;
	s7 =	sshll.u32 s7, $0x14  }
0x109: {  	s8 =	sor.u32 s0, s8;
	s2 =	sadd.s32 s2, s7  }
.Ltmp5:
0x10a: {  	s8 =	sshrl.u32 s8, $0x3;
	s0 =	sor.u32 s0, s2;
	(pc) =	sbr.rel .LBB2_2-.Ltmp5, $4  }
0x10b: {  	s9 =	simm.s32 $0x196A0;
	s8 =	sadd.s32 s3, s8;
	s0 =	sshrl.u32 s0, $0x8  }
0x10c: {  	[tilespmem:s9], [sflag:$0x2] =	stream.linear.gather [hbm4b:s8+s1], $0x1000, $0x38;
	[tilespmem:$0x1C7A0] =	vst v63  }
0x10d: {  	s28 =	sadd.s32 $0x1, s28;
	s0 =	sadd.s32 s5, s0  }
0x10e: {  	[tilespmem:s15], [sflag:$0x6] =	stream.linear.gather [hbm4b:s0+s1], $0x80, $0x38;
	[tilespmem:$0x1C7A0] =	vst v63  }
.LBB2_9:
0x10f: {  	_ =	sfence.sel $0x180000  }
0x110: {  	[bflag:$0x0] =	sbarrier.arrive $0xFFFF  }
0x111: {  	_ =	strace $0x90000047  }
0x112: {  	s0 =	stileid.u32;
	[bflag:$0x2] =	sbarrier.arrive $0xFFFF  }
0x113: {  	p0 =	sne.s32 s0, $0x0;
	s0 =	rddreg [dreg:$0x2]  }
0x114: {  	s0 =	sadd.s32 @!p0 $0x100000, s0  }
0x115: {  	[sflag:s0] =	ssyncadd.tile.s32 @!p0 $0x1;
	_ =	shalt  }
.Lfunc_end2:
_tile_overlayer_lowered:
.L_overlay_start_2:
0x116: {  	(tag) =	ssettag $0x2  }
0x117: {  	s0 =	rddreg [dreg:$0x0];
	s2 =	stileid.u32  }
0x118: {  	s1 =	rddreg [dreg:$0x1];
	p0 =	sne.s32 s2, $0x0  }
0x119: {  	s3 =	rddreg [dreg:$0x2];
	[bflag:$0x3] =	sbarrier.arrive $0xFFFF;
	s2 =	simm.s32 @!p0 $0x1C07  }
0x11a: {  	[timem:s3], [sflag:s2] =	dma.local @!p0 [hbm:s0], s1  }
0x11b: {  	s0 =	simm.s32 @!p0 $0x7  }
0x11c: {  	_ =	swait.ge @!p0 [sflag:s0], s1  }
0x11d: {  	s1 =	ssub.s32 @!p0 $0x0, s1;
	[sflag:s0] =	ssyncset.done @!p0 $0x0  }
0x11e: {  	[sflag:s0] =	ssyncadd.s32 @!p0 s1  }
0x11f: {  	[bflag:$0x3] =	sbarrier.arrive $0xFFFF  }
0x120: {  	_ =	shalt  }

</sc_bundles>
